<compile_context>
chip_gen: v7x
topology: tpu7x:2x2x1
jax: 0.10.2.dev20260603
libtpu: 0.0.44.dev20260713+nightly
codegen_flags: <defaults>
</compile_context>

<pallas_src>
import functools

import jax
import jax.numpy as jnp
from jax import lax
from jax.experimental import pallas as pl
from jax.experimental.pallas import tpu as pltpu
from jax.experimental.pallas import tpu_sc as plsc

N = 16384
EMBED = 64
HIDDEN = 128
NROWS = 1000000

_NC = 2
_NS = 16
_NW = _NC * _NS
_ROWS_W = N // _NW
_CHUNK = 128
_NCHUNK = _ROWS_W // _CHUNK

_BP = 8192
_NB = pl.cdiv(NROWS, _BP)


def _tt_body(tt_ref, eye_ref, out_ref):
    t = jax.lax.dot_general(
        tt_ref[...], eye_ref[...],
        (((0,), (0,)), ((), ())),
        preferred_element_type=jnp.float32,
    )
    out_ref[0, :, 0:EMBED] = t
    out_ref[0, :, EMBED:2 * EMBED] = t


def _tc_transpose_dup(table_t, eye):
    return pl.pallas_call(
        _tt_body,
        grid=(_NB,),
        in_specs=[
            pl.BlockSpec((EMBED, _BP), lambda i: (0, i)),
            pl.BlockSpec((EMBED, EMBED), lambda i: (0, 0)),
        ],
        out_specs=pl.BlockSpec((1, _BP, 2 * EMBED), lambda i: (i, 0, 0)),
        out_shape=jax.ShapeDtypeStruct((_NB, _BP, 2 * EMBED), jnp.float32),
    )(table_t, eye)


def _sc_gather_body(idx_hbm, table_hbm, x_hbm, idx_v, rows_v, sem):
    wid = lax.axis_index("s") * _NC + lax.axis_index("c")
    for t in range(3):
        pltpu.sync_copy(idx_hbm.at[t * _NW + wid], idx_v)
        cps = [
            pltpu.async_copy(
                table_hbm.at[idx_v.at[j]],
                rows_v.at[pl.ds(j * _CHUNK, _CHUNK)],
                sem,
            )
            for j in range(_NCHUNK)
        ]
        for c in cps:
            c.wait()
        pltpu.sync_copy(rows_v, x_hbm.at[t, pl.ds(wid * _ROWS_W, _ROWS_W)])


def _sc_gather(idx_all, table_pairs):
    mesh = plsc.VectorSubcoreMesh(core_axis_name="c", subcore_axis_name="s")
    kern = functools.partial(
        pl.kernel,
        mesh=mesh,
        out_type=jax.ShapeDtypeStruct((3, N, 2 * EMBED), jnp.float32),
        scratch_types=[
            pltpu.VMEM((_NCHUNK, _CHUNK), jnp.int32),
            pltpu.VMEM((_ROWS_W, 2 * EMBED), jnp.float32),
            pltpu.SemaphoreType.DMA,
        ],
        compiler_params=pltpu.CompilerParams(use_tc_tiling_on_sc=False),
    )(_sc_gather_body)
    return kern(idx_all, table_pairs)


_BLK = 512


def _tc_project_body(x_ref, w_ref, b_ref, o_ref):
    w = w_ref[...]
    bb = b_ref[...]
    for t in range(3):
        xt = x_ref[t][:, 0:EMBED]
        yt = jnp.dot(xt, w, preferred_element_type=jnp.float32)
        o_ref[:, t * HIDDEN:(t + 1) * HIDDEN] = yt + bb


def _tc_project(x3, wt, b2):
    return pl.pallas_call(
        _tc_project_body,
        grid=(N // _BLK,),
        in_specs=[
            pl.BlockSpec((3, _BLK, 2 * EMBED), lambda i: (0, i, 0)),
            pl.BlockSpec((EMBED, HIDDEN), lambda i: (0, 0)),
            pl.BlockSpec((1, HIDDEN), lambda i: (0, 0)),
        ],
        out_specs=pl.BlockSpec((_BLK, 3 * HIDDEN), lambda i: (i, 0)),
        out_shape=jax.ShapeDtypeStruct((N, 3 * HIDDEN), jnp.float32),
    )(x3, wt, b2)


def kernel(s, r, o, table, W, b):
    idx_all = (
        jnp.stack([s, r, o])
        .astype(jnp.int32)
        .reshape(3 * _NW, _NCHUNK, _CHUNK)
    )
    tbl_pairs = _tc_transpose_dup(table.T, jnp.eye(EMBED, dtype=jnp.float32))
    tbl_pairs = tbl_pairs.reshape(_NB * _BP, 2 * EMBED)
    x3 = _sc_gather(idx_all, tbl_pairs)
    wt = W.T
    b2 = b.reshape(1, HIDDEN)
    return _tc_project(x3, wt, b2)

# --- scband reference (transcript-rebuilt; emitter-appended) ---
"""Pipeline reference for scband-encoder-9139690406055 (READ-ONLY COPY).

The authoritative reference and input builder live on the scoring server;
editing this copy changes nothing except your own understanding.
"""

import jax, jax.numpy as jnp
import numpy as np

INPUT_SIZE = 1000000
EMBED = 64
HIDDEN = 128
N = 16384

def setup_inputs(seed: int = 0) -> dict:
    key = jax.random.key(seed)
    ks, kr, ko, kt, kw, kb = jax.random.split(key, 6)
    s = jax.random.randint(ks, (N,), 0, INPUT_SIZE, dtype=jnp.int64 if jax.config.jax_enable_x64 else jnp.int32)
    r = jax.random.randint(kr, (N,), 0, INPUT_SIZE, dtype=jnp.int64 if jax.config.jax_enable_x64 else jnp.int32)
    o = jax.random.randint(ko, (N,), 0, INPUT_SIZE, dtype=jnp.int64 if jax.config.jax_enable_x64 else jnp.int32)
    table = jax.random.normal(kt, (INPUT_SIZE, EMBED), dtype=jnp.float32)
    # nn.Linear(embedding_size, hidden_size): weight [hidden, embed], bias [hidden]
    bound = 1.0 / np.sqrt(EMBED)
    W = jax.random.uniform(kw, (HIDDEN, EMBED), minval=-bound, maxval=bound, dtype=jnp.float32)
    b = jax.random.uniform(kb, (HIDDEN,), minval=-bound, maxval=bound, dtype=jnp.float32)
    return {"s": s, "r": r, "o": o, "table": table, "W": W, "b": b}

def reference(s, r, o, table, W, b):
    x_s = jnp.take(table, s, axis=0)
    x_r = jnp.take(table, r, axis=0)
    x_o = jnp.take(table, o, axis=0)
    enc_s = x_s @ W.T + b
    enc_r = x_r @ W.T + b
    enc_o = x_o @ W.T + b
    fact_embedding = jnp.concatenate((enc_s, enc_r, enc_o), axis=1)
    return fact_embedding

if __name__ == "__main__":
    import jax
    _d = setup_inputs()
    print(jax.jit(kernel)(*tuple(_d.values())))

</pallas_src>

<mosaic_0001>
#map = affine_map<(d0, d1) -> (0, 0, 0)>
#map1 = affine_map<(d0, d1) -> (0, 0)>
module attributes {stable_mosaic.version = 14 : i64} {
  func.func @_sc_gather_body(%arg0: i32, %arg1: i32, %arg2: memref<96x4x128xi32, #tpu.memory_space<hbm>>, %arg3: memref<1007616x128xf32, #tpu.memory_space<hbm>>, %arg4: memref<3x16384x128xf32, #tpu.memory_space<hbm>>, %arg5: memref<4x128xi32, #tpu.memory_space<vmem>>, %arg6: memref<512x128xf32, #tpu.memory_space<vmem>>, %arg7: memref<!tpu.dma_semaphore, #tpu.memory_space<semaphore_mem>>) attributes {dimension_semantics = [#tpu.dimension_semantics<core_parallel>, #tpu.dimension_semantics<subcore_parallel>], iteration_bounds = array<i64: 2, 16>, scalar_prefetch = 0 : i64, scratch_operands = 3 : i64, tpu.core_type = #tpu.core_type<sc_vector_subcore>, window_params = [{transform_indices = #map}, {transform_indices = #map1}, {transform_indices = #map}]} {
    %mul3A = arith.constant 2 : i32
    %mul3A_0 = arith.muli %arg1, %mul3A : i32
    %add3A = arith.addi %mul3A_0, %arg0 : i32
    %add3A_1 = arith.constant 0 : i32
    %add3A_2 = arith.addi %add3A_1, %add3A : i32
    "tpu.region"() ({
      %run_scoped3A_253 = tpu.sem_alloc : memref<!tpu.dma_semaphore, #tpu.memory_space<semaphore_mem>>
      %dma_start3A_254 = arith.constant 0 : i32
      %dma_start3A_255 = arith.constant 0 : i32
      %dma_start3A_256 = tpu.memref_slice %arg2[%add3A_2, %dma_start3A_254, %dma_start3A_255] : memref<96x4x128xi32, #tpu.memory_space<hbm>> -> memref<1x4x128xi32, #tpu.memory_space<hbm>>
      %dma_start3A_257 = tpu.memref_squeeze %dma_start3A_256 : memref<1x4x128xi32, #tpu.memory_space<hbm>> -> memref<4x128xi32, #tpu.memory_space<hbm>>
      %dma_start3A_258 = arith.constant 0 : i32
      %dma_start3A_259 = arith.constant 0 : i32
      %dma_start3A_260 = tpu.memref_slice %arg2[%add3A_2, %dma_start3A_258, %dma_start3A_259] : memref<96x4x128xi32, #tpu.memory_space<hbm>> -> memref<1x4x128xi32, #tpu.memory_space<hbm>>
      %dma_start3A_261 = tpu.memref_squeeze %dma_start3A_260 : memref<1x4x128xi32, #tpu.memory_space<hbm>> -> memref<4x128xi32, #tpu.memory_space<hbm>>
      tpu.enqueue_dma source(%dma_start3A_261 : memref<4x128xi32, #tpu.memory_space<hbm>>) target(%arg5 : memref<4x128xi32, #tpu.memory_space<vmem>>) target_semaphore(%run_scoped3A_253 : memref<!tpu.dma_semaphore, #tpu.memory_space<semaphore_mem>>)
      %dma_wait3A_262 = arith.constant 0 : i32
      %dma_wait3A_263 = arith.constant 0 : i32
      %dma_wait3A_264 = tpu.memref_slice %arg2[%add3A_2, %dma_wait3A_262, %dma_wait3A_263] : memref<96x4x128xi32, #tpu.memory_space<hbm>> -> memref<1x4x128xi32, #tpu.memory_space<hbm>>
      %dma_wait3A_265 = tpu.memref_squeeze %dma_wait3A_264 : memref<1x4x128xi32, #tpu.memory_space<hbm>> -> memref<4x128xi32, #tpu.memory_space<hbm>>
      %dma_wait3A_266 = arith.constant 0 : i32
      %dma_wait3A_267 = arith.constant 0 : i32
      %dma_wait3A_268 = tpu.memref_slice %arg2[%add3A_2, %dma_wait3A_266, %dma_wait3A_267] : memref<96x4x128xi32, #tpu.memory_space<hbm>> -> memref<1x4x128xi32, #tpu.memory_space<hbm>>
      %dma_wait3A_269 = tpu.memref_squeeze %dma_wait3A_268 : memref<1x4x128xi32, #tpu.memory_space<hbm>> -> memref<4x128xi32, #tpu.memory_space<hbm>>
      tpu.wait_dma2 semaphore(%run_scoped3A_253 : memref<!tpu.dma_semaphore, #tpu.memory_space<semaphore_mem>>) src(%dma_wait3A_269 : memref<4x128xi32, #tpu.memory_space<hbm>>) dst(%arg5 : memref<4x128xi32, #tpu.memory_space<vmem>>)
      tpu.yield
    }) : () -> ()
    %dma_start3A = arith.constant 0 : i32
    %dma_start3A_3 = arith.constant 0 : i32
    %dma_start3A_4 = arith.constant 0 : i32
    %dma_start3A_5 = tpu.memref_slice %arg6[%dma_start3A_3, %dma_start3A_4] : memref<512x128xf32, #tpu.memory_space<vmem>> -> memref<128x128xf32, #tpu.memory_space<vmem>>
    %dma_start3A_6 = arith.constant 0 : i32
    %dma_start3A_7 = tpu.memref_slice %arg5[%dma_start3A, %dma_start3A_6] : memref<4x128xi32, #tpu.memory_space<vmem>> -> memref<1x128xi32, #tpu.memory_space<vmem>>
    %dma_start3A_8 = tpu.memref_squeeze %dma_start3A_7 : memref<1x128xi32, #tpu.memory_space<vmem>> -> memref<128xi32, #tpu.memory_space<vmem>>
    %dma_start3A_9 = arith.constant 0 : i32
    %dma_start3A_10 = arith.constant 0 : i32
    %dma_start3A_11 = tpu.memref_slice %arg3[%dma_start3A_9, %dma_start3A_10] : memref<1007616x128xf32, #tpu.memory_space<hbm>> -> memref<1007616x128xf32, #tpu.memory_space<hbm>>
    tpu.enqueue_indirect_dma source(%dma_start3A_11 : memref<1007616x128xf32, #tpu.memory_space<hbm>>) target(%dma_start3A_5 : memref<128x128xf32, #tpu.memory_space<vmem>>) offsets(%dma_start3A_8 : memref<128xi32, #tpu.memory_space<vmem>>) semaphore(%arg7 : memref<!tpu.dma_semaphore, #tpu.memory_space<semaphore_mem>>)
    %dma_start3A_12 = arith.constant 1 : i32
    %dma_start3A_13 = arith.constant 128 : i32
    %dma_start3A_14 = arith.constant 0 : i32
    %dma_start3A_15 = tpu.memref_slice %arg6[%dma_start3A_13, %dma_start3A_14] : memref<512x128xf32, #tpu.memory_space<vmem>> -> memref<128x128xf32, #tpu.memory_space<vmem>>
    %dma_start3A_16 = arith.constant 0 : i32
    %dma_start3A_17 = tpu.memref_slice %arg5[%dma_start3A_12, %dma_start3A_16] : memref<4x128xi32, #tpu.memory_space<vmem>> -> memref<1x128xi32, #tpu.memory_space<vmem>>
    %dma_start3A_18 = tpu.memref_squeeze %dma_start3A_17 : memref<1x128xi32, #tpu.memory_space<vmem>> -> memref<128xi32, #tpu.memory_space<vmem>>
    %dma_start3A_19 = arith.constant 0 : i32
    %dma_start3A_20 = arith.constant 0 : i32
    %dma_start3A_21 = tpu.memref_slice %arg3[%dma_start3A_19, %dma_start3A_20] : memref<1007616x128xf32, #tpu.memory_space<hbm>> -> memref<1007616x128xf32, #tpu.memory_space<hbm>>
    tpu.enqueue_indirect_dma source(%dma_start3A_21 : memref<1007616x128xf32, #tpu.memory_space<hbm>>) target(%dma_start3A_15 : memref<128x128xf32, #tpu.memory_space<vmem>>) offsets(%dma_start3A_18 : memref<128xi32, #tpu.memory_space<vmem>>) semaphore(%arg7 : memref<!tpu.dma_semaphore, #tpu.memory_space<semaphore_mem>>)
    %dma_start3A_22 = arith.constant 2 : i32
    %dma_start3A_23 = arith.constant 256 : i32
    %dma_start3A_24 = arith.constant 0 : i32
    %dma_start3A_25 = tpu.memref_slice %arg6[%dma_start3A_23, %dma_start3A_24] : memref<512x128xf32, #tpu.memory_space<vmem>> -> memref<128x128xf32, #tpu.memory_space<vmem>>
    %dma_start3A_26 = arith.constant 0 : i32
    %dma_start3A_27 = tpu.memref_slice %arg5[%dma_start3A_22, %dma_start3A_26] : memref<4x128xi32, #tpu.memory_space<vmem>> -> memref<1x128xi32, #tpu.memory_space<vmem>>
    %dma_start3A_28 = tpu.memref_squeeze %dma_start3A_27 : memref<1x128xi32, #tpu.memory_space<vmem>> -> memref<128xi32, #tpu.memory_space<vmem>>
    %dma_start3A_29 = arith.constant 0 : i32
    %dma_start3A_30 = arith.constant 0 : i32
    %dma_start3A_31 = tpu.memref_slice %arg3[%dma_start3A_29, %dma_start3A_30] : memref<1007616x128xf32, #tpu.memory_space<hbm>> -> memref<1007616x128xf32, #tpu.memory_space<hbm>>
    tpu.enqueue_indirect_dma source(%dma_start3A_31 : memref<1007616x128xf32, #tpu.memory_space<hbm>>) target(%dma_start3A_25 : memref<128x128xf32, #tpu.memory_space<vmem>>) offsets(%dma_start3A_28 : memref<128xi32, #tpu.memory_space<vmem>>) semaphore(%arg7 : memref<!tpu.dma_semaphore, #tpu.memory_space<semaphore_mem>>)
    %dma_start3A_32 = arith.constant 3 : i32
    %dma_start3A_33 = arith.constant 384 : i32
    %dma_start3A_34 = arith.constant 0 : i32
    %dma_start3A_35 = tpu.memref_slice %arg6[%dma_start3A_33, %dma_start3A_34] : memref<512x128xf32, #tpu.memory_space<vmem>> -> memref<128x128xf32, #tpu.memory_space<vmem>>
    %dma_start3A_36 = arith.constant 0 : i32
    %dma_start3A_37 = tpu.memref_slice %arg5[%dma_start3A_32, %dma_start3A_36] : memref<4x128xi32, #tpu.memory_space<vmem>> -> memref<1x128xi32, #tpu.memory_space<vmem>>
    %dma_start3A_38 = tpu.memref_squeeze %dma_start3A_37 : memref<1x128xi32, #tpu.memory_space<vmem>> -> memref<128xi32, #tpu.memory_space<vmem>>
    %dma_start3A_39 = arith.constant 0 : i32
    %dma_start3A_40 = arith.constant 0 : i32
    %dma_start3A_41 = tpu.memref_slice %arg3[%dma_start3A_39, %dma_start3A_40] : memref<1007616x128xf32, #tpu.memory_space<hbm>> -> memref<1007616x128xf32, #tpu.memory_space<hbm>>
    tpu.enqueue_indirect_dma source(%dma_start3A_41 : memref<1007616x128xf32, #tpu.memory_space<hbm>>) target(%dma_start3A_35 : memref<128x128xf32, #tpu.memory_space<vmem>>) offsets(%dma_start3A_38 : memref<128xi32, #tpu.memory_space<vmem>>) semaphore(%arg7 : memref<!tpu.dma_semaphore, #tpu.memory_space<semaphore_mem>>)
    %dma_wait3A = arith.constant 0 : i32
    %dma_wait3A_42 = arith.constant 0 : i32
    %dma_wait3A_43 = arith.constant 0 : i32
    %dma_wait3A_44 = tpu.memref_slice %arg6[%dma_wait3A_42, %dma_wait3A_43] : memref<512x128xf32, #tpu.memory_space<vmem>> -> memref<128x128xf32, #tpu.memory_space<vmem>>
    %dma_wait3A_45 = arith.constant 0 : i32
    %dma_wait3A_46 = tpu.memref_slice %arg5[%dma_wait3A, %dma_wait3A_45] : memref<4x128xi32, #tpu.memory_space<vmem>> -> memref<1x128xi32, #tpu.memory_space<vmem>>
    %dma_wait3A_47 = tpu.memref_squeeze %dma_wait3A_46 : memref<1x128xi32, #tpu.memory_space<vmem>> -> memref<128xi32, #tpu.memory_space<vmem>>
    %dma_wait3A_48 = arith.constant 0 : i32
    %dma_wait3A_49 = arith.constant 0 : i32
    %dma_wait3A_50 = tpu.memref_slice %arg3[%dma_wait3A_48, %dma_wait3A_49] : memref<1007616x128xf32, #tpu.memory_space<hbm>> -> memref<1007616x128xf32, #tpu.memory_space<hbm>>
    tpu.wait_indirect_dma semaphore(%arg7 : memref<!tpu.dma_semaphore, #tpu.memory_space<semaphore_mem>>) src(%dma_wait3A_50 : memref<1007616x128xf32, #tpu.memory_space<hbm>>) dst(%dma_wait3A_44 : memref<128x128xf32, #tpu.memory_space<vmem>>)
    %dma_wait3A_51 = arith.constant 1 : i32
    %dma_wait3A_52 = arith.constant 128 : i32
    %dma_wait3A_53 = arith.constant 0 : i32
    %dma_wait3A_54 = tpu.memref_slice %arg6[%dma_wait3A_52, %dma_wait3A_53] : memref<512x128xf32, #tpu.memory_space<vmem>> -> memref<128x128xf32, #tpu.memory_space<vmem>>
    %dma_wait3A_55 = arith.constant 0 : i32
    %dma_wait3A_56 = tpu.memref_slice %arg5[%dma_wait3A_51, %dma_wait3A_55] : memref<4x128xi32, #tpu.memory_space<vmem>> -> memref<1x128xi32, #tpu.memory_space<vmem>>
    %dma_wait3A_57 = tpu.memref_squeeze %dma_wait3A_56 : memref<1x128xi32, #tpu.memory_space<vmem>> -> memref<128xi32, #tpu.memory_space<vmem>>
    %dma_wait3A_58 = arith.constant 0 : i32
    %dma_wait3A_59 = arith.constant 0 : i32
    %dma_wait3A_60 = tpu.memref_slice %arg3[%dma_wait3A_58, %dma_wait3A_59] : memref<1007616x128xf32, #tpu.memory_space<hbm>> -> memref<1007616x128xf32, #tpu.memory_space<hbm>>
    tpu.wait_indirect_dma semaphore(%arg7 : memref<!tpu.dma_semaphore, #tpu.memory_space<semaphore_mem>>) src(%dma_wait3A_60 : memref<1007616x128xf32, #tpu.memory_space<hbm>>) dst(%dma_wait3A_54 : memref<128x128xf32, #tpu.memory_space<vmem>>)
    %dma_wait3A_61 = arith.constant 2 : i32
    %dma_wait3A_62 = arith.constant 256 : i32
    %dma_wait3A_63 = arith.constant 0 : i32
    %dma_wait3A_64 = tpu.memref_slice %arg6[%dma_wait3A_62, %dma_wait3A_63] : memref<512x128xf32, #tpu.memory_space<vmem>> -> memref<128x128xf32, #tpu.memory_space<vmem>>
    %dma_wait3A_65 = arith.constant 0 : i32
    %dma_wait3A_66 = tpu.memref_slice %arg5[%dma_wait3A_61, %dma_wait3A_65] : memref<4x128xi32, #tpu.memory_space<vmem>> -> memref<1x128xi32, #tpu.memory_space<vmem>>
    %dma_wait3A_67 = tpu.memref_squeeze %dma_wait3A_66 : memref<1x128xi32, #tpu.memory_space<vmem>> -> memref<128xi32, #tpu.memory_space<vmem>>
    %dma_wait3A_68 = arith.constant 0 : i32
    %dma_wait3A_69 = arith.constant 0 : i32
    %dma_wait3A_70 = tpu.memref_slice %arg3[%dma_wait3A_68, %dma_wait3A_69] : memref<1007616x128xf32, #tpu.memory_space<hbm>> -> memref<1007616x128xf32, #tpu.memory_space<hbm>>
    tpu.wait_indirect_dma semaphore(%arg7 : memref<!tpu.dma_semaphore, #tpu.memory_space<semaphore_mem>>) src(%dma_wait3A_70 : memref<1007616x128xf32, #tpu.memory_space<hbm>>) dst(%dma_wait3A_64 : memref<128x128xf32, #tpu.memory_space<vmem>>)
    %dma_wait3A_71 = arith.constant 3 : i32
    %dma_wait3A_72 = arith.constant 384 : i32
    %dma_wait3A_73 = arith.constant 0 : i32
    %dma_wait3A_74 = tpu.memref_slice %arg6[%dma_wait3A_72, %dma_wait3A_73] : memref<512x128xf32, #tpu.memory_space<vmem>> -> memref<128x128xf32, #tpu.memory_space<vmem>>
    %dma_wait3A_75 = arith.constant 0 : i32
    %dma_wait3A_76 = tpu.memref_slice %arg5[%dma_wait3A_71, %dma_wait3A_75] : memref<4x128xi32, #tpu.memory_space<vmem>> -> memref<1x128xi32, #tpu.memory_space<vmem>>
    %dma_wait3A_77 = tpu.memref_squeeze %dma_wait3A_76 : memref<1x128xi32, #tpu.memory_space<vmem>> -> memref<128xi32, #tpu.memory_space<vmem>>
    %dma_wait3A_78 = arith.constant 0 : i32
    %dma_wait3A_79 = arith.constant 0 : i32
    %dma_wait3A_80 = tpu.memref_slice %arg3[%dma_wait3A_78, %dma_wait3A_79] : memref<1007616x128xf32, #tpu.memory_space<hbm>> -> memref<1007616x128xf32, #tpu.memory_space<hbm>>
    tpu.wait_indirect_dma semaphore(%arg7 : memref<!tpu.dma_semaphore, #tpu.memory_space<semaphore_mem>>) src(%dma_wait3A_80 : memref<1007616x128xf32, #tpu.memory_space<hbm>>) dst(%dma_wait3A_74 : memref<128x128xf32, #tpu.memory_space<vmem>>)
    %mul3A_81 = arith.constant 512 : i32
    %mul3A_82 = arith.muli %add3A, %mul3A_81 : i32
    %run_scoped3A = arith.constant 0 : i32
    "tpu.region"() ({
      %run_scoped3A_253 = tpu.sem_alloc : memref<!tpu.dma_semaphore, #tpu.memory_space<semaphore_mem>>
      %dma_start3A_254 = arith.constant 0 : i32
      %dma_start3A_255 = tpu.memref_slice %arg4[%run_scoped3A, %mul3A_82, %dma_start3A_254] : memref<3x16384x128xf32, #tpu.memory_space<hbm>> -> memref<1x512x128xf32, #tpu.memory_space<hbm>>
      %dma_start3A_256 = tpu.memref_squeeze %dma_start3A_255 : memref<1x512x128xf32, #tpu.memory_space<hbm>> -> memref<512x128xf32, #tpu.memory_space<hbm>>
      %dma_start3A_257 = arith.constant 0 : i32
      %dma_start3A_258 = tpu.memref_slice %arg4[%run_scoped3A, %mul3A_82, %dma_start3A_257] : memref<3x16384x128xf32, #tpu.memory_space<hbm>> -> memref<1x512x128xf32, #tpu.memory_space<hbm>>
      %dma_start3A_259 = tpu.memref_squeeze %dma_start3A_258 : memref<1x512x128xf32, #tpu.memory_space<hbm>> -> memref<512x128xf32, #tpu.memory_space<hbm>>
      tpu.enqueue_dma source(%arg6 : memref<512x128xf32, #tpu.memory_space<vmem>>) target(%dma_start3A_259 : memref<512x128xf32, #tpu.memory_space<hbm>>) target_semaphore(%run_scoped3A_253 : memref<!tpu.dma_semaphore, #tpu.memory_space<semaphore_mem>>)
      %dma_wait3A_260 = arith.constant 0 : i32
      %dma_wait3A_261 = tpu.memref_slice %arg4[%run_scoped3A, %mul3A_82, %dma_wait3A_260] : memref<3x16384x128xf32, #tpu.memory_space<hbm>> -> memref<1x512x128xf32, #tpu.memory_space<hbm>>
      %dma_wait3A_262 = tpu.memref_squeeze %dma_wait3A_261 : memref<1x512x128xf32, #tpu.memory_space<hbm>> -> memref<512x128xf32, #tpu.memory_space<hbm>>
      %dma_wait3A_263 = arith.constant 0 : i32
      %dma_wait3A_264 = tpu.memref_slice %arg4[%run_scoped3A, %mul3A_82, %dma_wait3A_263] : memref<3x16384x128xf32, #tpu.memory_space<hbm>> -> memref<1x512x128xf32, #tpu.memory_space<hbm>>
      %dma_wait3A_265 = tpu.memref_squeeze %dma_wait3A_264 : memref<1x512x128xf32, #tpu.memory_space<hbm>> -> memref<512x128xf32, #tpu.memory_space<hbm>>
      tpu.wait_dma2 semaphore(%run_scoped3A_253 : memref<!tpu.dma_semaphore, #tpu.memory_space<semaphore_mem>>) src(%arg6 : memref<512x128xf32, #tpu.memory_space<vmem>>) dst(%dma_wait3A_265 : memref<512x128xf32, #tpu.memory_space<hbm>>)
      tpu.yield
    }) : () -> ()
    %add3A_83 = arith.constant 32 : i32
    %add3A_84 = arith.addi %add3A_83, %add3A : i32
    "tpu.region"() ({
      %run_scoped3A_253 = tpu.sem_alloc : memref<!tpu.dma_semaphore, #tpu.memory_space<semaphore_mem>>
      %dma_start3A_254 = arith.constant 0 : i32
      %dma_start3A_255 = arith.constant 0 : i32
      %dma_start3A_256 = tpu.memref_slice %arg2[%add3A_84, %dma_start3A_254, %dma_start3A_255] : memref<96x4x128xi32, #tpu.memory_space<hbm>> -> memref<1x4x128xi32, #tpu.memory_space<hbm>>
      %dma_start3A_257 = tpu.memref_squeeze %dma_start3A_256 : memref<1x4x128xi32, #tpu.memory_space<hbm>> -> memref<4x128xi32, #tpu.memory_space<hbm>>
      %dma_start3A_258 = arith.constant 0 : i32
      %dma_start3A_259 = arith.constant 0 : i32
      %dma_start3A_260 = tpu.memref_slice %arg2[%add3A_84, %dma_start3A_258, %dma_start3A_259] : memref<96x4x128xi32, #tpu.memory_space<hbm>> -> memref<1x4x128xi32, #tpu.memory_space<hbm>>
      %dma_start3A_261 = tpu.memref_squeeze %dma_start3A_260 : memref<1x4x128xi32, #tpu.memory_space<hbm>> -> memref<4x128xi32, #tpu.memory_space<hbm>>
      tpu.enqueue_dma source(%dma_start3A_261 : memref<4x128xi32, #tpu.memory_space<hbm>>) target(%arg5 : memref<4x128xi32, #tpu.memory_space<vmem>>) target_semaphore(%run_scoped3A_253 : memref<!tpu.dma_semaphore, #tpu.memory_space<semaphore_mem>>)
      %dma_wait3A_262 = arith.constant 0 : i32
      %dma_wait3A_263 = arith.constant 0 : i32
      %dma_wait3A_264 = tpu.memref_slice %arg2[%add3A_84, %dma_wait3A_262, %dma_wait3A_263] : memref<96x4x128xi32, #tpu.memory_space<hbm>> -> memref<1x4x128xi32, #tpu.memory_space<hbm>>
      %dma_wait3A_265 = tpu.memref_squeeze %dma_wait3A_264 : memref<1x4x128xi32, #tpu.memory_space<hbm>> -> memref<4x128xi32, #tpu.memory_space<hbm>>
      %dma_wait3A_266 = arith.constant 0 : i32
      %dma_wait3A_267 = arith.constant 0 : i32
      %dma_wait3A_268 = tpu.memref_slice %arg2[%add3A_84, %dma_wait3A_266, %dma_wait3A_267] : memref<96x4x128xi32, #tpu.memory_space<hbm>> -> memref<1x4x128xi32, #tpu.memory_space<hbm>>
      %dma_wait3A_269 = tpu.memref_squeeze %dma_wait3A_268 : memref<1x4x128xi32, #tpu.memory_space<hbm>> -> memref<4x128xi32, #tpu.memory_space<hbm>>
      tpu.wait_dma2 semaphore(%run_scoped3A_253 : memref<!tpu.dma_semaphore, #tpu.memory_space<semaphore_mem>>) src(%dma_wait3A_269 : memref<4x128xi32, #tpu.memory_space<hbm>>) dst(%arg5 : memref<4x128xi32, #tpu.memory_space<vmem>>)
      tpu.yield
    }) : () -> ()
    %dma_start3A_85 = arith.constant 0 : i32
    %dma_start3A_86 = arith.constant 0 : i32
    %dma_start3A_87 = arith.constant 0 : i32
    %dma_start3A_88 = tpu.memref_slice %arg6[%dma_start3A_86, %dma_start3A_87] : memref<512x128xf32, #tpu.memory_space<vmem>> -> memref<128x128xf32, #tpu.memory_space<vmem>>
    %dma_start3A_89 = arith.constant 0 : i32
    %dma_start3A_90 = tpu.memref_slice %arg5[%dma_start3A_85, %dma_start3A_89] : memref<4x128xi32, #tpu.memory_space<vmem>> -> memref<1x128xi32, #tpu.memory_space<vmem>>
    %dma_start3A_91 = tpu.memref_squeeze %dma_start3A_90 : memref<1x128xi32, #tpu.memory_space<vmem>> -> memref<128xi32, #tpu.memory_space<vmem>>
    %dma_start3A_92 = arith.constant 0 : i32
    %dma_start3A_93 = arith.constant 0 : i32
    %dma_start3A_94 = tpu.memref_slice %arg3[%dma_start3A_92, %dma_start3A_93] : memref<1007616x128xf32, #tpu.memory_space<hbm>> -> memref<1007616x128xf32, #tpu.memory_space<hbm>>
    tpu.enqueue_indirect_dma source(%dma_start3A_94 : memref<1007616x128xf32, #tpu.memory_space<hbm>>) target(%dma_start3A_88 : memref<128x128xf32, #tpu.memory_space<vmem>>) offsets(%dma_start3A_91 : memref<128xi32, #tpu.memory_space<vmem>>) semaphore(%arg7 : memref<!tpu.dma_semaphore, #tpu.memory_space<semaphore_mem>>)
    %dma_start3A_95 = arith.constant 1 : i32
    %dma_start3A_96 = arith.constant 128 : i32
    %dma_start3A_97 = arith.constant 0 : i32
    %dma_start3A_98 = tpu.memref_slice %arg6[%dma_start3A_96, %dma_start3A_97] : memref<512x128xf32, #tpu.memory_space<vmem>> -> memref<128x128xf32, #tpu.memory_space<vmem>>
    %dma_start3A_99 = arith.constant 0 : i32
    %dma_start3A_100 = tpu.memref_slice %arg5[%dma_start3A_95, %dma_start3A_99] : memref<4x128xi32, #tpu.memory_space<vmem>> -> memref<1x128xi32, #tpu.memory_space<vmem>>
    %dma_start3A_101 = tpu.memref_squeeze %dma_start3A_100 : memref<1x128xi32, #tpu.memory_space<vmem>> -> memref<128xi32, #tpu.memory_space<vmem>>
    %dma_start3A_102 = arith.constant 0 : i32
    %dma_start3A_103 = arith.constant 0 : i32
    %dma_start3A_104 = tpu.memref_slice %arg3[%dma_start3A_102, %dma_start3A_103] : memref<1007616x128xf32, #tpu.memory_space<hbm>> -> memref<1007616x128xf32, #tpu.memory_space<hbm>>
    tpu.enqueue_indirect_dma source(%dma_start3A_104 : memref<1007616x128xf32, #tpu.memory_space<hbm>>) target(%dma_start3A_98 : memref<128x128xf32, #tpu.memory_space<vmem>>) offsets(%dma_start3A_101 : memref<128xi32, #tpu.memory_space<vmem>>) semaphore(%arg7 : memref<!tpu.dma_semaphore, #tpu.memory_space<semaphore_mem>>)
    %dma_start3A_105 = arith.constant 2 : i32
    %dma_start3A_106 = arith.constant 256 : i32
    %dma_start3A_107 = arith.constant 0 : i32
    %dma_start3A_108 = tpu.memref_slice %arg6[%dma_start3A_106, %dma_start3A_107] : memref<512x128xf32, #tpu.memory_space<vmem>> -> memref<128x128xf32, #tpu.memory_space<vmem>>
    %dma_start3A_109 = arith.constant 0 : i32
    %dma_start3A_110 = tpu.memref_slice %arg5[%dma_start3A_105, %dma_start3A_109] : memref<4x128xi32, #tpu.memory_space<vmem>> -> memref<1x128xi32, #tpu.memory_space<vmem>>
    %dma_start3A_111 = tpu.memref_squeeze %dma_start3A_110 : memref<1x128xi32, #tpu.memory_space<vmem>> -> memref<128xi32, #tpu.memory_space<vmem>>
    %dma_start3A_112 = arith.constant 0 : i32
    %dma_start3A_113 = arith.constant 0 : i32
    %dma_start3A_114 = tpu.memref_slice %arg3[%dma_start3A_112, %dma_start3A_113] : memref<1007616x128xf32, #tpu.memory_space<hbm>> -> memref<1007616x128xf32, #tpu.memory_space<hbm>>
    tpu.enqueue_indirect_dma source(%dma_start3A_114 : memref<1007616x128xf32, #tpu.memory_space<hbm>>) target(%dma_start3A_108 : memref<128x128xf32, #tpu.memory_space<vmem>>) offsets(%dma_start3A_111 : memref<128xi32, #tpu.memory_space<vmem>>) semaphore(%arg7 : memref<!tpu.dma_semaphore, #tpu.memory_space<semaphore_mem>>)
    %dma_start3A_115 = arith.constant 3 : i32
    %dma_start3A_116 = arith.constant 384 : i32
    %dma_start3A_117 = arith.constant 0 : i32
    %dma_start3A_118 = tpu.memref_slice %arg6[%dma_start3A_116, %dma_start3A_117] : memref<512x128xf32, #tpu.memory_space<vmem>> -> memref<128x128xf32, #tpu.memory_space<vmem>>
    %dma_start3A_119 = arith.constant 0 : i32
    %dma_start3A_120 = tpu.memref_slice %arg5[%dma_start3A_115, %dma_start3A_119] : memref<4x128xi32, #tpu.memory_space<vmem>> -> memref<1x128xi32, #tpu.memory_space<vmem>>
    %dma_start3A_121 = tpu.memref_squeeze %dma_start3A_120 : memref<1x128xi32, #tpu.memory_space<vmem>> -> memref<128xi32, #tpu.memory_space<vmem>>
    %dma_start3A_122 = arith.constant 0 : i32
    %dma_start3A_123 = arith.constant 0 : i32
    %dma_start3A_124 = tpu.memref_slice %arg3[%dma_start3A_122, %dma_start3A_123] : memref<1007616x128xf32, #tpu.memory_space<hbm>> -> memref<1007616x128xf32, #tpu.memory_space<hbm>>
    tpu.enqueue_indirect_dma source(%dma_start3A_124 : memref<1007616x128xf32, #tpu.memory_space<hbm>>) target(%dma_start3A_118 : memref<128x128xf32, #tpu.memory_space<vmem>>) offsets(%dma_start3A_121 : memref<128xi32, #tpu.memory_space<vmem>>) semaphore(%arg7 : memref<!tpu.dma_semaphore, #tpu.memory_space<semaphore_mem>>)
    %dma_wait3A_125 = arith.constant 0 : i32
    %dma_wait3A_126 = arith.constant 0 : i32
    %dma_wait3A_127 = arith.constant 0 : i32
    %dma_wait3A_128 = tpu.memref_slice %arg6[%dma_wait3A_126, %dma_wait3A_127] : memref<512x128xf32, #tpu.memory_space<vmem>> -> memref<128x128xf32, #tpu.memory_space<vmem>>
    %dma_wait3A_129 = arith.constant 0 : i32
    %dma_wait3A_130 = tpu.memref_slice %arg5[%dma_wait3A_125, %dma_wait3A_129] : memref<4x128xi32, #tpu.memory_space<vmem>> -> memref<1x128xi32, #tpu.memory_space<vmem>>
    %dma_wait3A_131 = tpu.memref_squeeze %dma_wait3A_130 : memref<1x128xi32, #tpu.memory_space<vmem>> -> memref<128xi32, #tpu.memory_space<vmem>>
    %dma_wait3A_132 = arith.constant 0 : i32
    %dma_wait3A_133 = arith.constant 0 : i32
    %dma_wait3A_134 = tpu.memref_slice %arg3[%dma_wait3A_132, %dma_wait3A_133] : memref<1007616x128xf32, #tpu.memory_space<hbm>> -> memref<1007616x128xf32, #tpu.memory_space<hbm>>
    tpu.wait_indirect_dma semaphore(%arg7 : memref<!tpu.dma_semaphore, #tpu.memory_space<semaphore_mem>>) src(%dma_wait3A_134 : memref<1007616x128xf32, #tpu.memory_space<hbm>>) dst(%dma_wait3A_128 : memref<128x128xf32, #tpu.memory_space<vmem>>)
    %dma_wait3A_135 = arith.constant 1 : i32
    %dma_wait3A_136 = arith.constant 128 : i32
    %dma_wait3A_137 = arith.constant 0 : i32
    %dma_wait3A_138 = tpu.memref_slice %arg6[%dma_wait3A_136, %dma_wait3A_137] : memref<512x128xf32, #tpu.memory_space<vmem>> -> memref<128x128xf32, #tpu.memory_space<vmem>>
    %dma_wait3A_139 = arith.constant 0 : i32
    %dma_wait3A_140 = tpu.memref_slice %arg5[%dma_wait3A_135, %dma_wait3A_139] : memref<4x128xi32, #tpu.memory_space<vmem>> -> memref<1x128xi32, #tpu.memory_space<vmem>>
    %dma_wait3A_141 = tpu.memref_squeeze %dma_wait3A_140 : memref<1x128xi32, #tpu.memory_space<vmem>> -> memref<128xi32, #tpu.memory_space<vmem>>
    %dma_wait3A_142 = arith.constant 0 : i32
    %dma_wait3A_143 = arith.constant 0 : i32
    %dma_wait3A_144 = tpu.memref_slice %arg3[%dma_wait3A_142, %dma_wait3A_143] : memref<1007616x128xf32, #tpu.memory_space<hbm>> -> memref<1007616x128xf32, #tpu.memory_space<hbm>>
    tpu.wait_indirect_dma semaphore(%arg7 : memref<!tpu.dma_semaphore, #tpu.memory_space<semaphore_mem>>) src(%dma_wait3A_144 : memref<1007616x128xf32, #tpu.memory_space<hbm>>) dst(%dma_wait3A_138 : memref<128x128xf32, #tpu.memory_space<vmem>>)
    %dma_wait3A_145 = arith.constant 2 : i32
    %dma_wait3A_146 = arith.constant 256 : i32
    %dma_wait3A_147 = arith.constant 0 : i32
    %dma_wait3A_148 = tpu.memref_slice %arg6[%dma_wait3A_146, %dma_wait3A_147] : memref<512x128xf32, #tpu.memory_space<vmem>> -> memref<128x128xf32, #tpu.memory_space<vmem>>
    %dma_wait3A_149 = arith.constant 0 : i32
    %dma_wait3A_150 = tpu.memref_slice %arg5[%dma_wait3A_145, %dma_wait3A_149] : memref<4x128xi32, #tpu.memory_space<vmem>> -> memref<1x128xi32, #tpu.memory_space<vmem>>
    %dma_wait3A_151 = tpu.memref_squeeze %dma_wait3A_150 : memref<1x128xi32, #tpu.memory_space<vmem>> -> memref<128xi32, #tpu.memory_space<vmem>>
    %dma_wait3A_152 = arith.constant 0 : i32
    %dma_wait3A_153 = arith.constant 0 : i32
    %dma_wait3A_154 = tpu.memref_slice %arg3[%dma_wait3A_152, %dma_wait3A_153] : memref<1007616x128xf32, #tpu.memory_space<hbm>> -> memref<1007616x128xf32, #tpu.memory_space<hbm>>
    tpu.wait_indirect_dma semaphore(%arg7 : memref<!tpu.dma_semaphore, #tpu.memory_space<semaphore_mem>>) src(%dma_wait3A_154 : memref<1007616x128xf32, #tpu.memory_space<hbm>>) dst(%dma_wait3A_148 : memref<128x128xf32, #tpu.memory_space<vmem>>)
    %dma_wait3A_155 = arith.constant 3 : i32
    %dma_wait3A_156 = arith.constant 384 : i32
    %dma_wait3A_157 = arith.constant 0 : i32
    %dma_wait3A_158 = tpu.memref_slice %arg6[%dma_wait3A_156, %dma_wait3A_157] : memref<512x128xf32, #tpu.memory_space<vmem>> -> memref<128x128xf32, #tpu.memory_space<vmem>>
    %dma_wait3A_159 = arith.constant 0 : i32
    %dma_wait3A_160 = tpu.memref_slice %arg5[%dma_wait3A_155, %dma_wait3A_159] : memref<4x128xi32, #tpu.memory_space<vmem>> -> memref<1x128xi32, #tpu.memory_space<vmem>>
    %dma_wait3A_161 = tpu.memref_squeeze %dma_wait3A_160 : memref<1x128xi32, #tpu.memory_space<vmem>> -> memref<128xi32, #tpu.memory_space<vmem>>
    %dma_wait3A_162 = arith.constant 0 : i32
    %dma_wait3A_163 = arith.constant 0 : i32
    %dma_wait3A_164 = tpu.memref_slice %arg3[%dma_wait3A_162, %dma_wait3A_163] : memref<1007616x128xf32, #tpu.memory_space<hbm>> -> memref<1007616x128xf32, #tpu.memory_space<hbm>>
    tpu.wait_indirect_dma semaphore(%arg7 : memref<!tpu.dma_semaphore, #tpu.memory_space<semaphore_mem>>) src(%dma_wait3A_164 : memref<1007616x128xf32, #tpu.memory_space<hbm>>) dst(%dma_wait3A_158 : memref<128x128xf32, #tpu.memory_space<vmem>>)
    %mul3A_165 = arith.constant 512 : i32
    %mul3A_166 = arith.muli %add3A, %mul3A_165 : i32
    %run_scoped3A_167 = arith.constant 1 : i32
    "tpu.region"() ({
      %run_scoped3A_253 = tpu.sem_alloc : memref<!tpu.dma_semaphore, #tpu.memory_space<semaphore_mem>>
      %dma_start3A_254 = arith.constant 0 : i32
      %dma_start3A_255 = tpu.memref_slice %arg4[%run_scoped3A_167, %mul3A_166, %dma_start3A_254] : memref<3x16384x128xf32, #tpu.memory_space<hbm>> -> memref<1x512x128xf32, #tpu.memory_space<hbm>>
      %dma_start3A_256 = tpu.memref_squeeze %dma_start3A_255 : memref<1x512x128xf32, #tpu.memory_space<hbm>> -> memref<512x128xf32, #tpu.memory_space<hbm>>
      %dma_start3A_257 = arith.constant 0 : i32
      %dma_start3A_258 = tpu.memref_slice %arg4[%run_scoped3A_167, %mul3A_166, %dma_start3A_257] : memref<3x16384x128xf32, #tpu.memory_space<hbm>> -> memref<1x512x128xf32, #tpu.memory_space<hbm>>
      %dma_start3A_259 = tpu.memref_squeeze %dma_start3A_258 : memref<1x512x128xf32, #tpu.memory_space<hbm>> -> memref<512x128xf32, #tpu.memory_space<hbm>>
      tpu.enqueue_dma source(%arg6 : memref<512x128xf32, #tpu.memory_space<vmem>>) target(%dma_start3A_259 : memref<512x128xf32, #tpu.memory_space<hbm>>) target_semaphore(%run_scoped3A_253 : memref<!tpu.dma_semaphore, #tpu.memory_space<semaphore_mem>>)
      %dma_wait3A_260 = arith.constant 0 : i32
      %dma_wait3A_261 = tpu.memref_slice %arg4[%run_scoped3A_167, %mul3A_166, %dma_wait3A_260] : memref<3x16384x128xf32, #tpu.memory_space<hbm>> -> memref<1x512x128xf32, #tpu.memory_space<hbm>>
      %dma_wait3A_262 = tpu.memref_squeeze %dma_wait3A_261 : memref<1x512x128xf32, #tpu.memory_space<hbm>> -> memref<512x128xf32, #tpu.memory_space<hbm>>
      %dma_wait3A_263 = arith.constant 0 : i32
      %dma_wait3A_264 = tpu.memref_slice %arg4[%run_scoped3A_167, %mul3A_166, %dma_wait3A_263] : memref<3x16384x128xf32, #tpu.memory_space<hbm>> -> memref<1x512x128xf32, #tpu.memory_space<hbm>>
      %dma_wait3A_265 = tpu.memref_squeeze %dma_wait3A_264 : memref<1x512x128xf32, #tpu.memory_space<hbm>> -> memref<512x128xf32, #tpu.memory_space<hbm>>
      tpu.wait_dma2 semaphore(%run_scoped3A_253 : memref<!tpu.dma_semaphore, #tpu.memory_space<semaphore_mem>>) src(%arg6 : memref<512x128xf32, #tpu.memory_space<vmem>>) dst(%dma_wait3A_265 : memref<512x128xf32, #tpu.memory_space<hbm>>)
      tpu.yield
    }) : () -> ()
    %add3A_168 = arith.constant 64 : i32
    %add3A_169 = arith.addi %add3A_168, %add3A : i32
    "tpu.region"() ({
      %run_scoped3A_253 = tpu.sem_alloc : memref<!tpu.dma_semaphore, #tpu.memory_space<semaphore_mem>>
      %dma_start3A_254 = arith.constant 0 : i32
      %dma_start3A_255 = arith.constant 0 : i32
      %dma_start3A_256 = tpu.memref_slice %arg2[%add3A_169, %dma_start3A_254, %dma_start3A_255] : memref<96x4x128xi32, #tpu.memory_space<hbm>> -> memref<1x4x128xi32, #tpu.memory_space<hbm>>
      %dma_start3A_257 = tpu.memref_squeeze %dma_start3A_256 : memref<1x4x128xi32, #tpu.memory_space<hbm>> -> memref<4x128xi32, #tpu.memory_space<hbm>>
      %dma_start3A_258 = arith.constant 0 : i32
      %dma_start3A_259 = arith.constant 0 : i32
      %dma_start3A_260 = tpu.memref_slice %arg2[%add3A_169, %dma_start3A_258, %dma_start3A_259] : memref<96x4x128xi32, #tpu.memory_space<hbm>> -> memref<1x4x128xi32, #tpu.memory_space<hbm>>
      %dma_start3A_261 = tpu.memref_squeeze %dma_start3A_260 : memref<1x4x128xi32, #tpu.memory_space<hbm>> -> memref<4x128xi32, #tpu.memory_space<hbm>>
      tpu.enqueue_dma source(%dma_start3A_261 : memref<4x128xi32, #tpu.memory_space<hbm>>) target(%arg5 : memref<4x128xi32, #tpu.memory_space<vmem>>) target_semaphore(%run_scoped3A_253 : memref<!tpu.dma_semaphore, #tpu.memory_space<semaphore_mem>>)
      %dma_wait3A_262 = arith.constant 0 : i32
      %dma_wait3A_263 = arith.constant 0 : i32
      %dma_wait3A_264 = tpu.memref_slice %arg2[%add3A_169, %dma_wait3A_262, %dma_wait3A_263] : memref<96x4x128xi32, #tpu.memory_space<hbm>> -> memref<1x4x128xi32, #tpu.memory_space<hbm>>
      %dma_wait3A_265 = tpu.memref_squeeze %dma_wait3A_264 : memref<1x4x128xi32, #tpu.memory_space<hbm>> -> memref<4x128xi32, #tpu.memory_space<hbm>>
      %dma_wait3A_266 = arith.constant 0 : i32
      %dma_wait3A_267 = arith.constant 0 : i32
      %dma_wait3A_268 = tpu.memref_slice %arg2[%add3A_169, %dma_wait3A_266, %dma_wait3A_267] : memref<96x4x128xi32, #tpu.memory_space<hbm>> -> memref<1x4x128xi32, #tpu.memory_space<hbm>>
      %dma_wait3A_269 = tpu.memref_squeeze %dma_wait3A_268 : memref<1x4x128xi32, #tpu.memory_space<hbm>> -> memref<4x128xi32, #tpu.memory_space<hbm>>
      tpu.wait_dma2 semaphore(%run_scoped3A_253 : memref<!tpu.dma_semaphore, #tpu.memory_space<semaphore_mem>>) src(%dma_wait3A_269 : memref<4x128xi32, #tpu.memory_space<hbm>>) dst(%arg5 : memref<4x128xi32, #tpu.memory_space<vmem>>)
      tpu.yield
    }) : () -> ()
    %dma_start3A_170 = arith.constant 0 : i32
    %dma_start3A_171 = arith.constant 0 : i32
    %dma_start3A_172 = arith.constant 0 : i32
    %dma_start3A_173 = tpu.memref_slice %arg6[%dma_start3A_171, %dma_start3A_172] : memref<512x128xf32, #tpu.memory_space<vmem>> -> memref<128x128xf32, #tpu.memory_space<vmem>>
    %dma_start3A_174 = arith.constant 0 : i32
    %dma_start3A_175 = tpu.memref_slice %arg5[%dma_start3A_170, %dma_start3A_174] : memref<4x128xi32, #tpu.memory_space<vmem>> -> memref<1x128xi32, #tpu.memory_space<vmem>>
    %dma_start3A_176 = tpu.memref_squeeze %dma_start3A_175 : memref<1x128xi32, #tpu.memory_space<vmem>> -> memref<128xi32, #tpu.memory_space<vmem>>
    %dma_start3A_177 = arith.constant 0 : i32
    %dma_start3A_178 = arith.constant 0 : i32
    %dma_start3A_179 = tpu.memref_slice %arg3[%dma_start3A_177, %dma_start3A_178] : memref<1007616x128xf32, #tpu.memory_space<hbm>> -> memref<1007616x128xf32, #tpu.memory_space<hbm>>
    tpu.enqueue_indirect_dma source(%dma_start3A_179 : memref<1007616x128xf32, #tpu.memory_space<hbm>>) target(%dma_start3A_173 : memref<128x128xf32, #tpu.memory_space<vmem>>) offsets(%dma_start3A_176 : memref<128xi32, #tpu.memory_space<vmem>>) semaphore(%arg7 : memref<!tpu.dma_semaphore, #tpu.memory_space<semaphore_mem>>)
    %dma_start3A_180 = arith.constant 1 : i32
    %dma_start3A_181 = arith.constant 128 : i32
    %dma_start3A_182 = arith.constant 0 : i32
    %dma_start3A_183 = tpu.memref_slice %arg6[%dma_start3A_181, %dma_start3A_182] : memref<512x128xf32, #tpu.memory_space<vmem>> -> memref<128x128xf32, #tpu.memory_space<vmem>>
    %dma_start3A_184 = arith.constant 0 : i32
    %dma_start3A_185 = tpu.memref_slice %arg5[%dma_start3A_180, %dma_start3A_184] : memref<4x128xi32, #tpu.memory_space<vmem>> -> memref<1x128xi32, #tpu.memory_space<vmem>>
    %dma_start3A_186 = tpu.memref_squeeze %dma_start3A_185 : memref<1x128xi32, #tpu.memory_space<vmem>> -> memref<128xi32, #tpu.memory_space<vmem>>
    %dma_start3A_187 = arith.constant 0 : i32
    %dma_start3A_188 = arith.constant 0 : i32
    %dma_start3A_189 = tpu.memref_slice %arg3[%dma_start3A_187, %dma_start3A_188] : memref<1007616x128xf32, #tpu.memory_space<hbm>> -> memref<1007616x128xf32, #tpu.memory_space<hbm>>
    tpu.enqueue_indirect_dma source(%dma_start3A_189 : memref<1007616x128xf32, #tpu.memory_space<hbm>>) target(%dma_start3A_183 : memref<128x128xf32, #tpu.memory_space<vmem>>) offsets(%dma_start3A_186 : memref<128xi32, #tpu.memory_space<vmem>>) semaphore(%arg7 : memref<!tpu.dma_semaphore, #tpu.memory_space<semaphore_mem>>)
    %dma_start3A_190 = arith.constant 2 : i32
    %dma_start3A_191 = arith.constant 256 : i32
    %dma_start3A_192 = arith.constant 0 : i32
    %dma_start3A_193 = tpu.memref_slice %arg6[%dma_start3A_191, %dma_start3A_192] : memref<512x128xf32, #tpu.memory_space<vmem>> -> memref<128x128xf32, #tpu.memory_space<vmem>>
    %dma_start3A_194 = arith.constant 0 : i32
    %dma_start3A_195 = tpu.memref_slice %arg5[%dma_start3A_190, %dma_start3A_194] : memref<4x128xi32, #tpu.memory_space<vmem>> -> memref<1x128xi32, #tpu.memory_space<vmem>>
    %dma_start3A_196 = tpu.memref_squeeze %dma_start3A_195 : memref<1x128xi32, #tpu.memory_space<vmem>> -> memref<128xi32, #tpu.memory_space<vmem>>
    %dma_start3A_197 = arith.constant 0 : i32
    %dma_start3A_198 = arith.constant 0 : i32
    %dma_start3A_199 = tpu.memref_slice %arg3[%dma_start3A_197, %dma_start3A_198] : memref<1007616x128xf32, #tpu.memory_space<hbm>> -> memref<1007616x128xf32, #tpu.memory_space<hbm>>
    tpu.enqueue_indirect_dma source(%dma_start3A_199 : memref<1007616x128xf32, #tpu.memory_space<hbm>>) target(%dma_start3A_193 : memref<128x128xf32, #tpu.memory_space<vmem>>) offsets(%dma_start3A_196 : memref<128xi32, #tpu.memory_space<vmem>>) semaphore(%arg7 : memref<!tpu.dma_semaphore, #tpu.memory_space<semaphore_mem>>)
    %dma_start3A_200 = arith.constant 3 : i32
    %dma_start3A_201 = arith.constant 384 : i32
    %dma_start3A_202 = arith.constant 0 : i32
    %dma_start3A_203 = tpu.memref_slice %arg6[%dma_start3A_201, %dma_start3A_202] : memref<512x128xf32, #tpu.memory_space<vmem>> -> memref<128x128xf32, #tpu.memory_space<vmem>>
    %dma_start3A_204 = arith.constant 0 : i32
    %dma_start3A_205 = tpu.memref_slice %arg5[%dma_start3A_200, %dma_start3A_204] : memref<4x128xi32, #tpu.memory_space<vmem>> -> memref<1x128xi32, #tpu.memory_space<vmem>>
    %dma_start3A_206 = tpu.memref_squeeze %dma_start3A_205 : memref<1x128xi32, #tpu.memory_space<vmem>> -> memref<128xi32, #tpu.memory_space<vmem>>
    %dma_start3A_207 = arith.constant 0 : i32
    %dma_start3A_208 = arith.constant 0 : i32
    %dma_start3A_209 = tpu.memref_slice %arg3[%dma_start3A_207, %dma_start3A_208] : memref<1007616x128xf32, #tpu.memory_space<hbm>> -> memref<1007616x128xf32, #tpu.memory_space<hbm>>
    tpu.enqueue_indirect_dma source(%dma_start3A_209 : memref<1007616x128xf32, #tpu.memory_space<hbm>>) target(%dma_start3A_203 : memref<128x128xf32, #tpu.memory_space<vmem>>) offsets(%dma_start3A_206 : memref<128xi32, #tpu.memory_space<vmem>>) semaphore(%arg7 : memref<!tpu.dma_semaphore, #tpu.memory_space<semaphore_mem>>)
    %dma_wait3A_210 = arith.constant 0 : i32
    %dma_wait3A_211 = arith.constant 0 : i32
    %dma_wait3A_212 = arith.constant 0 : i32
    %dma_wait3A_213 = tpu.memref_slice %arg6[%dma_wait3A_211, %dma_wait3A_212] : memref<512x128xf32, #tpu.memory_space<vmem>> -> memref<128x128xf32, #tpu.memory_space<vmem>>
    %dma_wait3A_214 = arith.constant 0 : i32
    %dma_wait3A_215 = tpu.memref_slice %arg5[%dma_wait3A_210, %dma_wait3A_214] : memref<4x128xi32, #tpu.memory_space<vmem>> -> memref<1x128xi32, #tpu.memory_space<vmem>>
    %dma_wait3A_216 = tpu.memref_squeeze %dma_wait3A_215 : memref<1x128xi32, #tpu.memory_space<vmem>> -> memref<128xi32, #tpu.memory_space<vmem>>
    %dma_wait3A_217 = arith.constant 0 : i32
    %dma_wait3A_218 = arith.constant 0 : i32
    %dma_wait3A_219 = tpu.memref_slice %arg3[%dma_wait3A_217, %dma_wait3A_218] : memref<1007616x128xf32, #tpu.memory_space<hbm>> -> memref<1007616x128xf32, #tpu.memory_space<hbm>>
    tpu.wait_indirect_dma semaphore(%arg7 : memref<!tpu.dma_semaphore, #tpu.memory_space<semaphore_mem>>) src(%dma_wait3A_219 : memref<1007616x128xf32, #tpu.memory_space<hbm>>) dst(%dma_wait3A_213 : memref<128x128xf32, #tpu.memory_space<vmem>>)
    %dma_wait3A_220 = arith.constant 1 : i32
    %dma_wait3A_221 = arith.constant 128 : i32
    %dma_wait3A_222 = arith.constant 0 : i32
    %dma_wait3A_223 = tpu.memref_slice %arg6[%dma_wait3A_221, %dma_wait3A_222] : memref<512x128xf32, #tpu.memory_space<vmem>> -> memref<128x128xf32, #tpu.memory_space<vmem>>
    %dma_wait3A_224 = arith.constant 0 : i32
    %dma_wait3A_225 = tpu.memref_slice %arg5[%dma_wait3A_220, %dma_wait3A_224] : memref<4x128xi32, #tpu.memory_space<vmem>> -> memref<1x128xi32, #tpu.memory_space<vmem>>
    %dma_wait3A_226 = tpu.memref_squeeze %dma_wait3A_225 : memref<1x128xi32, #tpu.memory_space<vmem>> -> memref<128xi32, #tpu.memory_space<vmem>>
    %dma_wait3A_227 = arith.constant 0 : i32
    %dma_wait3A_228 = arith.constant 0 : i32
    %dma_wait3A_229 = tpu.memref_slice %arg3[%dma_wait3A_227, %dma_wait3A_228] : memref<1007616x128xf32, #tpu.memory_space<hbm>> -> memref<1007616x128xf32, #tpu.memory_space<hbm>>
    tpu.wait_indirect_dma semaphore(%arg7 : memref<!tpu.dma_semaphore, #tpu.memory_space<semaphore_mem>>) src(%dma_wait3A_229 : memref<1007616x128xf32, #tpu.memory_space<hbm>>) dst(%dma_wait3A_223 : memref<128x128xf32, #tpu.memory_space<vmem>>)
    %dma_wait3A_230 = arith.constant 2 : i32
    %dma_wait3A_231 = arith.constant 256 : i32
    %dma_wait3A_232 = arith.constant 0 : i32
    %dma_wait3A_233 = tpu.memref_slice %arg6[%dma_wait3A_231, %dma_wait3A_232] : memref<512x128xf32, #tpu.memory_space<vmem>> -> memref<128x128xf32, #tpu.memory_space<vmem>>
    %dma_wait3A_234 = arith.constant 0 : i32
    %dma_wait3A_235 = tpu.memref_slice %arg5[%dma_wait3A_230, %dma_wait3A_234] : memref<4x128xi32, #tpu.memory_space<vmem>> -> memref<1x128xi32, #tpu.memory_space<vmem>>
    %dma_wait3A_236 = tpu.memref_squeeze %dma_wait3A_235 : memref<1x128xi32, #tpu.memory_space<vmem>> -> memref<128xi32, #tpu.memory_space<vmem>>
    %dma_wait3A_237 = arith.constant 0 : i32
    %dma_wait3A_238 = arith.constant 0 : i32
    %dma_wait3A_239 = tpu.memref_slice %arg3[%dma_wait3A_237, %dma_wait3A_238] : memref<1007616x128xf32, #tpu.memory_space<hbm>> -> memref<1007616x128xf32, #tpu.memory_space<hbm>>
    tpu.wait_indirect_dma semaphore(%arg7 : memref<!tpu.dma_semaphore, #tpu.memory_space<semaphore_mem>>) src(%dma_wait3A_239 : memref<1007616x128xf32, #tpu.memory_space<hbm>>) dst(%dma_wait3A_233 : memref<128x128xf32, #tpu.memory_space<vmem>>)
    %dma_wait3A_240 = arith.constant 3 : i32
    %dma_wait3A_241 = arith.constant 384 : i32
    %dma_wait3A_242 = arith.constant 0 : i32
    %dma_wait3A_243 = tpu.memref_slice %arg6[%dma_wait3A_241, %dma_wait3A_242] : memref<512x128xf32, #tpu.memory_space<vmem>> -> memref<128x128xf32, #tpu.memory_space<vmem>>
    %dma_wait3A_244 = arith.constant 0 : i32
    %dma_wait3A_245 = tpu.memref_slice %arg5[%dma_wait3A_240, %dma_wait3A_244] : memref<4x128xi32, #tpu.memory_space<vmem>> -> memref<1x128xi32, #tpu.memory_space<vmem>>
    %dma_wait3A_246 = tpu.memref_squeeze %dma_wait3A_245 : memref<1x128xi32, #tpu.memory_space<vmem>> -> memref<128xi32, #tpu.memory_space<vmem>>
    %dma_wait3A_247 = arith.constant 0 : i32
    %dma_wait3A_248 = arith.constant 0 : i32
    %dma_wait3A_249 = tpu.memref_slice %arg3[%dma_wait3A_247, %dma_wait3A_248] : memref<1007616x128xf32, #tpu.memory_space<hbm>> -> memref<1007616x128xf32, #tpu.memory_space<hbm>>
    tpu.wait_indirect_dma semaphore(%arg7 : memref<!tpu.dma_semaphore, #tpu.memory_space<semaphore_mem>>) src(%dma_wait3A_249 : memref<1007616x128xf32, #tpu.memory_space<hbm>>) dst(%dma_wait3A_243 : memref<128x128xf32, #tpu.memory_space<vmem>>)
    %mul3A_250 = arith.constant 512 : i32
    %mul3A_251 = arith.muli %add3A, %mul3A_250 : i32
    %run_scoped3A_252 = arith.constant 2 : i32
    "tpu.region"() ({
      %run_scoped3A_253 = tpu.sem_alloc : memref<!tpu.dma_semaphore, #tpu.memory_space<semaphore_mem>>
      %dma_start3A_254 = arith.constant 0 : i32
      %dma_start3A_255 = tpu.memref_slice %arg4[%run_scoped3A_252, %mul3A_251, %dma_start3A_254] : memref<3x16384x128xf32, #tpu.memory_space<hbm>> -> memref<1x512x128xf32, #tpu.memory_space<hbm>>
      %dma_start3A_256 = tpu.memref_squeeze %dma_start3A_255 : memref<1x512x128xf32, #tpu.memory_space<hbm>> -> memref<512x128xf32, #tpu.memory_space<hbm>>
      %dma_start3A_257 = arith.constant 0 : i32
      %dma_start3A_258 = tpu.memref_slice %arg4[%run_scoped3A_252, %mul3A_251, %dma_start3A_257] : memref<3x16384x128xf32, #tpu.memory_space<hbm>> -> memref<1x512x128xf32, #tpu.memory_space<hbm>>
      %dma_start3A_259 = tpu.memref_squeeze %dma_start3A_258 : memref<1x512x128xf32, #tpu.memory_space<hbm>> -> memref<512x128xf32, #tpu.memory_space<hbm>>
      tpu.enqueue_dma source(%arg6 : memref<512x128xf32, #tpu.memory_space<vmem>>) target(%dma_start3A_259 : memref<512x128xf32, #tpu.memory_space<hbm>>) target_semaphore(%run_scoped3A_253 : memref<!tpu.dma_semaphore, #tpu.memory_space<semaphore_mem>>)
      %dma_wait3A_260 = arith.constant 0 : i32
      %dma_wait3A_261 = tpu.memref_slice %arg4[%run_scoped3A_252, %mul3A_251, %dma_wait3A_260] : memref<3x16384x128xf32, #tpu.memory_space<hbm>> -> memref<1x512x128xf32, #tpu.memory_space<hbm>>
      %dma_wait3A_262 = tpu.memref_squeeze %dma_wait3A_261 : memref<1x512x128xf32, #tpu.memory_space<hbm>> -> memref<512x128xf32, #tpu.memory_space<hbm>>
      %dma_wait3A_263 = arith.constant 0 : i32
      %dma_wait3A_264 = tpu.memref_slice %arg4[%run_scoped3A_252, %mul3A_251, %dma_wait3A_263] : memref<3x16384x128xf32, #tpu.memory_space<hbm>> -> memref<1x512x128xf32, #tpu.memory_space<hbm>>
      %dma_wait3A_265 = tpu.memref_squeeze %dma_wait3A_264 : memref<1x512x128xf32, #tpu.memory_space<hbm>> -> memref<512x128xf32, #tpu.memory_space<hbm>>
      tpu.wait_dma2 semaphore(%run_scoped3A_253 : memref<!tpu.dma_semaphore, #tpu.memory_space<semaphore_mem>>) src(%arg6 : memref<512x128xf32, #tpu.memory_space<vmem>>) dst(%dma_wait3A_265 : memref<512x128xf32, #tpu.memory_space<hbm>>)
      tpu.yield
    }) : () -> ()
    return
  }
}

module attributes {stable_mosaic.version = 14 : i64} {
  func.func @_tt_body(%arg0: i32, %arg1: memref<64x8192xf32, #tpu.memory_space<vmem>>, %arg2: memref<64x64xf32, #tpu.memory_space<vmem>>, %arg3: memref<1x8192x128xf32, #tpu.memory_space<vmem>>) attributes {dimension_semantics = [#tpu.dimension_semantics<arbitrary>], iteration_bounds = array<i64: 123>, scalar_prefetch = 0 : i64, scratch_operands = 0 : i64, tpu.core_type = #tpu.core_type<tc>, window_params = [{transform_indices = @transform_0, window_bounds = array<i64: 64, 8192>}, {pipeline_mode = #tpu.pipeline_mode<synchronous>, transform_indices = @transform_1, window_bounds = array<i64: 64, 64>}, {transform_indices = @transform_2, window_bounds = array<i64: 1, 8192, 128>}]} {
    %get3A = arith.constant 0 : index
    %get3A_0 = arith.constant 0 : index
    %get3A_1 = vector.load %arg1[%get3A, %get3A_0] : memref<64x8192xf32, #tpu.memory_space<vmem>>, vector<64x8192xf32>
    %get3A_2 = arith.constant 0 : index
    %get3A_3 = arith.constant 0 : index
    %get3A_4 = vector.load %arg2[%get3A_2, %get3A_3] : memref<64x64xf32, #tpu.memory_space<vmem>>, vector<64x64xf32>
    %dot_general3A = arith.constant dense<0.000000e+00> : vector<8192x64xf32>
    %dot_general3A_5 = tpu.matmul %get3A_1, %get3A_4, %dot_general3A {dimension_numbers = #tpu.dot_dimension_numbers<[0], [0], [1], [1], [0, 1, 1, 1], [], []>, transpose_lhs_hint = false} : vector<64x8192xf32>, vector<64x64xf32>, vector<8192x64xf32> -> vector<8192x64xf32>
    %swap3A = arith.constant 0 : index
    %swap3A_6 = arith.constant 0 : index
    %swap3A_7 = arith.constant 0 : index
    %swap3A_8 = vector.load %arg3[%swap3A, %swap3A_6, %swap3A_7] : memref<1x8192x128xf32, #tpu.memory_space<vmem>>, vector<1x8192x64xf32>
    %swap3A_9 = vector.shape_cast %swap3A_8 : vector<1x8192x64xf32> to vector<8192x64xf32>
    %swap3A_10 = vector.shape_cast %dot_general3A_5 : vector<8192x64xf32> to vector<1x8192x64xf32>
    tpu.vector_store %arg3[%swap3A, %swap3A_6, %swap3A_7], %swap3A_10 {strides = array<i32>} : memref<1x8192x128xf32, #tpu.memory_space<vmem>>, vector<1x8192x64xf32>,
    %swap3A_11 = arith.constant 0 : index
    %swap3A_12 = arith.constant 0 : index
    %swap3A_13 = arith.constant 64 : index
    %swap3A_14 = vector.load %arg3[%swap3A_11, %swap3A_12, %swap3A_13] : memref<1x8192x128xf32, #tpu.memory_space<vmem>>, vector<1x8192x64xf32>
    %swap3A_15 = vector.shape_cast %swap3A_14 : vector<1x8192x64xf32> to vector<8192x64xf32>
    %swap3A_16 = vector.shape_cast %dot_general3A_5 : vector<8192x64xf32> to vector<1x8192x64xf32>
    tpu.vector_store %arg3[%swap3A_11, %swap3A_12, %swap3A_13], %swap3A_16 {strides = array<i32>} : memref<1x8192x128xf32, #tpu.memory_space<vmem>>, vector<1x8192x64xf32>,
    return
  }
  func.func @transform_0(%arg0: i32) -> (i32, i32) {
    %c0_i32 = arith.constant 0 : i32
    %c0_i32_0 = arith.constant 0 : i32
    return %c0_i32, %arg0 : i32, i32
  }
  func.func @transform_1(%arg0: i32) -> (i32, i32) {
    %c0_i32 = arith.constant 0 : i32
    %c0_i32_0 = arith.constant 0 : i32
    %c0_i32_1 = arith.constant 0 : i32
    return %c0_i32, %c0_i32_0 : i32, i32
  }
  func.func @transform_2(%arg0: i32) -> (i32, i32, i32) {
    %c0_i32 = arith.constant 0 : i32
    %c0_i32_0 = arith.constant 0 : i32
    %c0_i32_1 = arith.constant 0 : i32
    return %arg0, %c0_i32, %c0_i32_0 : i32, i32, i32
  }
}

module attributes {stable_mosaic.version = 14 : i64} {
  func.func @_tc_project_body(%arg0: i32, %arg1: memref<3x512x128xf32, #tpu.memory_space<vmem>>, %arg2: memref<64x128xf32, #tpu.memory_space<vmem>>, %arg3: memref<1x128xf32, #tpu.memory_space<vmem>>, %arg4: memref<512x384xf32, #tpu.memory_space<vmem>>) attributes {dimension_semantics = [#tpu.dimension_semantics<arbitrary>], iteration_bounds = array<i64: 32>, scalar_prefetch = 0 : i64, scratch_operands = 0 : i64, tpu.core_type = #tpu.core_type<tc>, window_params = [{transform_indices = @transform_0, window_bounds = array<i64: 3, 512, 128>}, {pipeline_mode = #tpu.pipeline_mode<synchronous>, transform_indices = @transform_1, window_bounds = array<i64: 64, 128>}, {pipeline_mode = #tpu.pipeline_mode<synchronous>, transform_indices = @transform_2, window_bounds = array<i64: 1, 128>}, {transform_indices = @transform_3, window_bounds = array<i64: 512, 384>}]} {
    %get3A = arith.constant 0 : index
    %get3A_0 = arith.constant 0 : index
    %get3A_1 = vector.load %arg2[%get3A, %get3A_0] : memref<64x128xf32, #tpu.memory_space<vmem>>, vector<64x128xf32>
    %get3A_2 = arith.constant 0 : index
    %get3A_3 = arith.constant 0 : index
    %get3A_4 = vector.load %arg3[%get3A_2, %get3A_3] : memref<1x128xf32, #tpu.memory_space<vmem>>, vector<1x128xf32>
    %get3A_5 = arith.constant 0 : index
    %get3A_6 = arith.constant 0 : index
    %get3A_7 = arith.constant 0 : index
    %get3A_8 = vector.load %arg1[%get3A_5, %get3A_6, %get3A_7] : memref<3x512x128xf32, #tpu.memory_space<vmem>>, vector<1x512x128xf32>
    %get3A_9 = vector.shape_cast %get3A_8 : vector<1x512x128xf32> to vector<512x128xf32>
    %slice3A = vector.extract_strided_slice %get3A_9 {offsets = [0, 0], sizes = [512, 64], strides = [1, 1]} : vector<512x128xf32> to vector<512x64xf32>
    %dot_general3A = arith.constant dense<0.000000e+00> : vector<512x128xf32>
    %dot_general3A_10 = tpu.matmul %slice3A, %get3A_1, %dot_general3A {dimension_numbers = #tpu.dot_dimension_numbers<[1], [0], [0], [1], [0, 0, 1, 1], [], []>, transpose_lhs_hint = false} : vector<512x64xf32>, vector<64x128xf32>, vector<512x128xf32> -> vector<512x128xf32>
    %add3A = vector.broadcast %get3A_4 : vector<1x128xf32> to vector<512x128xf32>
    %add3A_11 = arith.addf %dot_general3A_10, %add3A : vector<512x128xf32>
    %swap3A = arith.constant 0 : index
    %swap3A_12 = arith.constant 0 : index
    %swap3A_13 = vector.load %arg4[%swap3A, %swap3A_12] : memref<512x384xf32, #tpu.memory_space<vmem>>, vector<512x128xf32>
    tpu.vector_store %arg4[%swap3A, %swap3A_12], %add3A_11 {strides = array<i32>} : memref<512x384xf32, #tpu.memory_space<vmem>>, vector<512x128xf32>,
    %get3A_14 = arith.constant 1 : index
    %get3A_15 = arith.constant 0 : index
    %get3A_16 = arith.constant 0 : index
    %get3A_17 = vector.load %arg1[%get3A_14, %get3A_15, %get3A_16] : memref<3x512x128xf32, #tpu.memory_space<vmem>>, vector<1x512x128xf32>
    %get3A_18 = vector.shape_cast %get3A_17 : vector<1x512x128xf32> to vector<512x128xf32>
    %slice3A_19 = vector.extract_strided_slice %get3A_18 {offsets = [0, 0], sizes = [512, 64], strides = [1, 1]} : vector<512x128xf32> to vector<512x64xf32>
    %dot_general3A_20 = arith.constant dense<0.000000e+00> : vector<512x128xf32>
    %dot_general3A_21 = tpu.matmul %slice3A_19, %get3A_1, %dot_general3A_20 {dimension_numbers = #tpu.dot_dimension_numbers<[1], [0], [0], [1], [0, 0, 1, 1], [], []>, transpose_lhs_hint = false} : vector<512x64xf32>, vector<64x128xf32>, vector<512x128xf32> -> vector<512x128xf32>
    %add3A_22 = vector.broadcast %get3A_4 : vector<1x128xf32> to vector<512x128xf32>
    %add3A_23 = arith.addf %dot_general3A_21, %add3A_22 : vector<512x128xf32>
    %swap3A_24 = arith.constant 0 : index
    %swap3A_25 = arith.constant 128 : index
    %swap3A_26 = vector.load %arg4[%swap3A_24, %swap3A_25] : memref<512x384xf32, #tpu.memory_space<vmem>>, vector<512x128xf32>
    tpu.vector_store %arg4[%swap3A_24, %swap3A_25], %add3A_23 {strides = array<i32>} : memref<512x384xf32, #tpu.memory_space<vmem>>, vector<512x128xf32>,
    %get3A_27 = arith.constant 2 : index
    %get3A_28 = arith.constant 0 : index
    %get3A_29 = arith.constant 0 : index
    %get3A_30 = vector.load %arg1[%get3A_27, %get3A_28, %get3A_29] : memref<3x512x128xf32, #tpu.memory_space<vmem>>, vector<1x512x128xf32>
    %get3A_31 = vector.shape_cast %get3A_30 : vector<1x512x128xf32> to vector<512x128xf32>
    %slice3A_32 = vector.extract_strided_slice %get3A_31 {offsets = [0, 0], sizes = [512, 64], strides = [1, 1]} : vector<512x128xf32> to vector<512x64xf32>
    %dot_general3A_33 = arith.constant dense<0.000000e+00> : vector<512x128xf32>
    %dot_general3A_34 = tpu.matmul %slice3A_32, %get3A_1, %dot_general3A_33 {dimension_numbers = #tpu.dot_dimension_numbers<[1], [0], [0], [1], [0, 0, 1, 1], [], []>, transpose_lhs_hint = false} : vector<512x64xf32>, vector<64x128xf32>, vector<512x128xf32> -> vector<512x128xf32>
    %add3A_35 = vector.broadcast %get3A_4 : vector<1x128xf32> to vector<512x128xf32>
    %add3A_36 = arith.addf %dot_general3A_34, %add3A_35 : vector<512x128xf32>
    %swap3A_37 = arith.constant 0 : index
    %swap3A_38 = arith.constant 256 : index
    %swap3A_39 = vector.load %arg4[%swap3A_37, %swap3A_38] : memref<512x384xf32, #tpu.memory_space<vmem>>, vector<512x128xf32>
    tpu.vector_store %arg4[%swap3A_37, %swap3A_38], %add3A_36 {strides = array<i32>} : memref<512x384xf32, #tpu.memory_space<vmem>>, vector<512x128xf32>,
    return
  }
  func.func @transform_0(%arg0: i32) -> (i32, i32, i32) {
    %c0_i32 = arith.constant 0 : i32
    %c0_i32_0 = arith.constant 0 : i32
    %c0_i32_1 = arith.constant 0 : i32
    return %c0_i32, %arg0, %c0_i32_0 : i32, i32, i32
  }
  func.func @transform_1(%arg0: i32) -> (i32, i32) {
    %c0_i32 = arith.constant 0 : i32
    %c0_i32_0 = arith.constant 0 : i32
    %c0_i32_1 = arith.constant 0 : i32
    return %c0_i32, %c0_i32_0 : i32, i32
  }
  func.func @transform_2(%arg0: i32) -> (i32, i32) {
    %c0_i32 = arith.constant 0 : i32
    %c0_i32_0 = arith.constant 0 : i32
    %c0_i32_1 = arith.constant 0 : i32
    return %c0_i32, %c0_i32_0 : i32, i32
  }
  func.func @transform_3(%arg0: i32) -> (i32, i32) {
    %c0_i32 = arith.constant 0 : i32
    %c0_i32_0 = arith.constant 0 : i32
    return %arg0, %c0_i32 : i32, i32
  }
}

</mosaic_0001>

<sc_bundles>
// kernel: kernel.5.cloned.1.call-start
scs
__scs_entry_jumppad:
0x0: {  	(pc) =	sbr.rel $0x88, $3  }
0x1: {  	(tag) =	ssettag $0x0;
	lr =	simm.s32 $0x1  }
0x2: {  	[smem:$0x3F9B] =	sst lr;
	_ =	strace $0xD0000000  }
0x3: {  	_ = 	snop  }
0x4: {  	_ = 	snop  }
0x5: {  	_ = 	snop  }
0x6: {  	_ = 	snop  }
0x7: {  	_ = 	snop  }
__scs_overlays_trampoline_lowered:
0x8: {  	[smem:$0x3FAA] =	sst s0  }
0x9: {  	[smem:$0x3FAB] =	sst s1  }
0xa: {  	[smem:$0x3FAC] =	sst s2  }
0xb: {  	[smem:$0x3FAD] =	sst s3  }
0xc: {  	[smem:$0x3FAE] =	sst s4  }
0xd: {  	[smem:$0x3FAF] =	sst s5  }
0xe: {  	[smem:$0x3FB0] =	sst s6  }
0xf: {  	[smem:$0x3FB1] =	sst s7  }
0x10: {  	[smem:$0x3FB2] =	sst s8  }
0x11: {  	[smem:$0x3FB3] =	sst s9;
	s0 =	simm.s32 @!p0 $0x0  }
0x12: {  	s1 =	sld [smem:$0x3F99];
	s0 =	simm.s32 @p0 $0x1  }
0x13: {  	[smem:$0x3FB4] =	sst s0;
	s0 =	simm.s32 @!p1 $0x0  }
0x14: {  	s2 =	sld [smem:$0x3F98];
	s0 =	simm.s32 @p1 $0x1  }
0x15: {  	[smem:$0x3FB5] =	sst s0;
	s0 =	simm.s32 @!p2 $0x0  }
0x16: {  	s3 =	sld [smem:$0x3FDB];
	s0 =	simm.s32 @p2 $0x1  }
0x17: {  	s4 =	simm.s32 $0x1BF5;
	[smem:$0x3FB7] =	sst s0  }
0x18: {  	s0 =	sld [smem:$0x3F9A];
	_ =	swait.ge [sflag:s4], $0x0  }
0x19: {  	s7 =	sld [smem:$0x3F9B]  }
0x1a: {  	s8 =	sadd.s32 $0xFFFFE003, lr  }
0x1b: {  	s9 =	sadd.s32 $0xFFFFFEF7, lr;
	s5 =	simm.s32 $0xFFFFFFFF;
	p2 =	slt.u32 s8, $0xFFFFF086  }
0x1c: {  	p1 =	slt.u32 s9, $0xF7A;
	s5 =	simm.s32 @!p2 $0x0  }
0x1d: {  	s5 =	simm.s32 @p1 $0x1;
	p0 =	seq.s32 s7, s2  }
0x1e: {  	s7 =	smul.u32 @!p0 $0xF7A, s2;
	p2 =	seq.s32 @!p0 s5, $0x0  }
0x1f: {  	s9 =	smul.u32 $0xF7A, s1;
	s8 =	simm.s32 @!p0 $0x1BF5;
	p2 =	por !p2, p0  }
0x20: {  	[sflag:s8] =	ssyncset.s32 @!p0 $0xFFFFF086;
	s6 =	sadd.s32 @!p0 s3, s7;
	s7 =	simm.s32 @!p0 $0x108  }
0x21: {  	s3 =	sadd.s32 s3, s9;
	s6 =	sadd.s32 @!p0 $0x88, s6;
	s7 =	simm.s32 @p2 $0x1082  }
0x22: {  	[simem:s7], [sflag:s8] =	dma.local @!p0 [hbm:s6], $0xF7A  }
0x23: {  	s9 =	sor.u32 $0xD0000000, s2;
	s6 =	simm.s32 $0x108;
	_ =	swait.ge @!p0 [sflag:s8], $0x0  }
0x24: {  	s3 =	sadd.s32 $0x88, s3;
	s6 =	simm.s32 @!p1 $0x1082;
	[sflag:s4] =	ssyncset.s32 $0xFFFFF086  }
0x25: {  	[simem:s6], [sflag:s4] =	dma.local [hbm:s3], $0xF7A  }
0x26: {  	[smem:$0x3F9B] =	sst s1;
	(tag) =	ssettag s2;
	_ =	strace s9  }
0x27: {  	s1 =	sld [smem:$0x3FAB]  }
0x28: {  	s2 =	sld [smem:$0x3FAC]  }
0x29: {  	s4 =	sld [smem:$0x3FAE]  }
0x2a: {  	p0 =	seq.s32 s5, $0x0;
	s5 =	sld [smem:$0x3FAF]  }
0x2b: {  	s6 =	sld [smem:$0x3FB0]  }
0x2c: {  	s7 =	sld [smem:$0x3FB1]  }
0x2d: {  	s3 =	simm.s32 $0x108;
	s8 =	sld [smem:$0x3FB2]  }
0x2e: {  	s3 =	simm.s32 @!p0 $0x1082;
	s9 =	sld [smem:$0x3FB3]  }
0x2f: {  	lr =	sadd.s32 s0, s3;
	s0 =	sld [smem:$0x3FAA]  }
0x30: {  	s3 =	sld [smem:$0x3FAD]  }
0x31: {  	[smem:$0x3FB6] =	sst s10  }
0x32: {  	s10 =	sld [smem:$0x3FB4];
	_ =	sdelay $0x3  }
0x33: {  	p0 =	seq.s32 s10, $0x1;
	s10 =	sld [smem:$0x3FB6];
	_ =	sdelay $0x3  }
0x34: {  	[smem:$0x3FB6] =	sst s10  }
0x35: {  	s10 =	sld [smem:$0x3FB5];
	_ =	sdelay $0x3  }
0x36: {  	p1 =	seq.s32 s10, $0x1;
	s10 =	sld [smem:$0x3FB6];
	_ =	sdelay $0x3  }
0x37: {  	[smem:$0x3FB6] =	sst s10  }
0x38: {  	s10 =	sld [smem:$0x3FB7]  }
0x39: {  	_ = 	snop;
	(pc) =	sbr.ind lr, $3  }
0x3a: {  	_ = 	snop  }
0x3b: {  	_ = 	snop  }
0x3c: {  	p2 =	seq.s32 s10, $0x1;
	s10 =	sld [smem:$0x3FB6]  }
0x3d: {  	_ =	shalt  }
0x3e: {  	_ =	shalt  }
0x3f: {  	_ =	shalt  }
0x40: {  	_ =	shalt  }
0x41: {  	_ =	shalt  }
0x42: {  	_ =	shalt  }
0x43: {  	_ =	shalt  }
0x44: {  	_ =	shalt  }
0x45: {  	_ =	shalt  }
0x46: {  	_ =	shalt  }
0x47: {  	_ =	shalt  }
0x48: {  	_ =	shalt  }
0x49: {  	_ =	shalt  }
0x4a: {  	_ =	shalt  }
0x4b: {  	_ =	shalt  }
0x4c: {  	_ =	shalt  }
0x4d: {  	_ =	shalt  }
0x4e: {  	_ =	shalt  }
0x4f: {  	_ =	shalt  }
0x50: {  	_ =	shalt  }
0x51: {  	_ =	shalt  }
0x52: {  	_ =	shalt  }
0x53: {  	_ =	shalt  }
0x54: {  	_ =	shalt  }
0x55: {  	_ =	shalt  }
0x56: {  	_ =	shalt  }
0x57: {  	_ =	shalt  }
0x58: {  	_ =	shalt  }
0x59: {  	_ =	shalt  }
0x5a: {  	_ =	shalt  }
0x5b: {  	_ =	shalt  }
0x5c: {  	_ =	shalt  }
0x5d: {  	_ =	shalt  }
0x5e: {  	_ =	shalt  }
0x5f: {  	_ =	shalt  }
0x60: {  	_ =	shalt  }
0x61: {  	_ =	shalt  }
0x62: {  	_ =	shalt  }
0x63: {  	_ =	shalt  }
0x64: {  	_ =	shalt  }
0x65: {  	_ =	shalt  }
0x66: {  	_ =	shalt  }
0x67: {  	_ =	shalt  }
0x68: {  	_ =	shalt  }
0x69: {  	_ =	shalt  }
0x6a: {  	_ =	shalt  }
0x6b: {  	_ =	shalt  }
0x6c: {  	_ =	shalt  }
0x6d: {  	_ =	shalt  }
0x6e: {  	_ =	shalt  }
0x6f: {  	_ =	shalt  }
0x70: {  	_ =	shalt  }
0x71: {  	_ =	shalt  }
0x72: {  	_ =	shalt  }
0x73: {  	_ =	shalt  }
0x74: {  	_ =	shalt  }
0x75: {  	_ =	shalt  }
0x76: {  	_ =	shalt  }
0x77: {  	_ =	shalt  }
0x78: {  	_ =	shalt  }
0x79: {  	_ =	shalt  }
0x7a: {  	_ =	shalt  }
0x7b: {  	_ =	shalt  }
0x7c: {  	_ =	shalt  }
0x7d: {  	_ =	shalt  }
0x7e: {  	_ =	shalt  }
0x7f: {  	_ =	shalt  }
0x80: {  	_ =	shalt  }
0x81: {  	_ =	shalt  }
0x82: {  	_ =	shalt  }
0x83: {  	_ =	shalt  }
0x84: {  	_ =	shalt  }
0x85: {  	_ =	shalt  }
0x86: {  	_ =	shalt  }
0x87: {  	_ =	shalt  }
.Lfunc_end0:
.L_simem_size_0:
called_computation_lowered:
.L_overlay_start_0:
0x88: {  	s2 =	sld [smem:$0x3FD9]  }
0x89: {  	s3 =	sld [smem:$0x3FFE];
	_ =	sdelay $0x1  }
0x8a: {  	s1 =	srdreg.scid  }
0x8b: {  	s0 =	sand.u32 $0x1, s1  }
0x8c: {  	s17 =	sshll.u32 s0, $0xA;
	s2 =	sadd.s32 s3, s2  }
0x8d: {  	s2 =	sadd.s32 s2, s17  }
0x8e: {  	[smem:$0x3FC2] =	sst s2  }
0x8f: {  	_ = 	snop  }
0x90: {  	s2 =	sld [smem:$0x3FD0];
	(tm) =	ssettm $0x1  }
0x91: {  	s18 =	sld [smem:$0x3FFB];
	_ =	sdelay $0x3  }
0x92: {  	_ =	strace s18  }
0x93: {  	s3 =	sld [smem:$0x3FFC];
	_ =	sdelay $0x3  }
0x94: {  	_ =	strace s3  }
0x95: {  	s3 =	sld [smem:$0x3FFD];
	_ =	sdelay $0x3  }
0x96: {  	_ =	strace s3  }
0x97: {  	_ =	strace $0x8FFFFFFF  }
0x98: {  	s19 =	sld [smem:$0x3FDB];
	_ =	sdelay $0x1  }
0x99: {  	s4 =	simm.s32 $_scs_section_size  }
0x9a: {  	s5 =	simm.s32 $_size__tile_overlayer_lowered;
	s6 =	simm.s32 $_tile_overlayer_lowered  }
0x9b: {  	s22 =	simm.s32 $0x1BFF;
	s21 =	sshll.u32 s6, $0x1;
	s3 =	sadd.s32 s4, s19  }
0x9c: {  	s7 =	simm.s32 $0x0;
	s20 =	sshll.u32 s5, $0x1;
	s5 =	sadd.s32 s21, s3  }
0x9d: {  	[timem:s7], [sflag:s22] =	dma.local [hbm:s5], s20  }
0x9e: {  	_ =	swait.ge [sflag:s22], s20  }
0x9f: {  	s4 =	ssub.s32 $0x0, s20;
	[sflag:s22] =	ssyncset.done $0x0  }
0xa0: {  	[sflag:s22] =	ssyncadd.s32 s4;
	_ =	sdelay $0x1  }
0xa1: {  	s23 =	simm.s32 $0x1B8B  }
0xa2: {  	_ =	swait.ge [sflag:s23], $0x1  }
0xa3: {  	[sflag:s23] =	ssyncset.done $0x0  }
0xa4: {  	s25 =	simm.s32 $0x1B8E;
	s24 =	sld [smem:$0x3FFE];
	[sflag:s23] =	ssyncadd.s32 $0xFFFFFFFF  }
0xa5: {  	s26 =	simm.s32 $execute0_lowered;
	[smem:$0x3FD2] =	sst s25  }
0xa6: {  	s5 =	sshll.u32 s26, $0x1;
	_ =	strace $0x80000046;
	[dreg:$0x1] =	wrdreg $0xFFFFFFFF  }
0xa7: {  	s28 =	simm.s32 $_size_execute0_lowered;
	s3 =	sadd.s32 s3, s5;
	[dreg:$0x0] =	wrdreg $0x0  }
0xa8: {  	s5 =	sshll.u32 s28, $0x1;
	[dreg:$0x2] =	wrdreg s3  }
0xa9: {  	[dreg:$0x3] =	wrdreg s5  }
0xaa: {  	[dreg:$0x4] =	wrdreg $0xC0  }
0xab: {  	_ =	task [dreg:s7], $0x5FFFF  }
0xac: {  	[dreg:$0x1] =	wrdreg $0xFFFFFFFF  }
0xad: {  	[dreg:$0x0] =	wrdreg $0x60  }
0xae: {  	[dreg:$0x2] =	wrdreg s2  }
0xaf: {  	[dreg:$0x3] =	wrdreg s24  }
0xb0: {  	[dreg:$0x4] =	wrdreg $0x9  }
0xb1: {  	_ =	task.clear_ibuf [dreg:s7], $0x5FFFF;
	_ =	strace $0x90000046  }
0xb2: {  	s29 =	simm.s32 $0x9;
	_ =	strace $0x80000048  }
0xb3: {  	_ =	swait.ge [sflag:s29], $0x1  }
0xb4: {  	[sflag:s29] =	ssyncadd.s32 $0xFFFFFFFF  }
0xb5: {  	_ =	strace $0x90000048  }
0xb6: {  	_ =	sfence  }
0xb7: {  	s30 =	sld [smem:$0x0];
	_ =	sdelay $0x2  }
0xb8: {  	s31 =	sshll.u32 s1, $0xD;
	s1 =	sshrl.u32 s1, $0x2  }
0xb9: {  	s3 =	sand.u32 $0x4000, s31;
	s1 =	sadd.s32 s1, s30  }
0xba: {  	s0 =	sor.u32 s3, s0;
	s1 =	sshll.u32 s1, $0x11  }
0xbb: {  	s0 =	sor.u32 s1, s0  }
0xbc: {  	s0 =	sadd.s32 $0x8F2B, s0  }
0xbd: {  	[sflag:s0] =	ssyncadd.remote.s32 $0x1  }
0xbe: {  	_ =	sfence.sel $0xFFFF  }
0xbf: {  	[dreg:$0x0] =	wrdreg $0xFFFFFFFF;
	(pc) =	sbr.abs _section_cstart, $3  }
0xc0: {  	[dreg:$0x1] =	wrdreg $0xFFFFFFFF  }
0xc1: {  	_ =	task.clear_ibuf [dreg:s7], $0x2FFFF;
	_ =	strace $0x9FFFFFFF  }
0xc2: {  	(tm) =	ssettm $0x7FFFFFFF  }
0xc3: {  	_ =	shalt  }
tec
execute0_lowered:
.L_overlay_start_1:
0x0: {  	(tag) =	ssettag $0x1  }
0x1: {  	s3 =	rddreg [dreg:$0x0]  }
0x2: {  	s1 =	srdreg.scid;
	s0 =	stileid.u32  }
0x3: {  	s14 =	rddreg [dreg:$0x1];
	s18 =	sand.u32 $0x1, s1;
	s4 =	sshll.u32 s0, $0x1  }
0x4: {  	s2 =	simm.s32 $0x0;
	s1 =	rddreg [dreg:$0x2];
	s15 =	sor.u32 s18, s4  }
0x5: {  	[smem:$0x7FF] =	sst s2;
	s4 =	sshll.u32 s15, $0x6  }
0x6: {  	_ =	strace $0x80000047;
	s4 =	sadd.s32 s3, s4;
	s3 =	simm.s32 $0x2  }
0x7: {  	[tilespmem:s2], [sflag:$0x2] =	stream.linear.gather [hbm4b:s4+s2], $0x200, $0x38;
	[tilespmem:$0x10200] =	vst v63  }
0x8: {  	_ =	swait.ge [sflag:s3], $0x200  }
0x9: {  	s6 =	simm.s32 $0x80;
	[sflag:s3] =	ssyncset.done $0x0  }
0xa: {  	s7 =	simm.s32 $0x200;
	s5 =	sadd.s32 $0x800, s14;
	[sflag:s3] =	ssyncadd.s32 $0xFFFFFE00  }
0xb: {  	[tilespmem:s7], [sflag:$0x1] =	stream.indirect.gather [hbm4b:s5+s6], $0x80, s2, s6, $0xb8;
	[tilespmem:$0x10200] =	vst v63  }
0xc: {  	s8 =	simm.s32 $0x4200  }
0xd: {  	[tilespmem:s8], [sflag:$0x1] =	stream.indirect.gather [hbm4b:s5+s6], $0x80, s6, s6, $0xb8;
	[tilespmem:$0x10200] =	vst v63  }
0xe: {  	s9 =	simm.s32 $0x100;
	s10 =	simm.s32 $0x8200  }
0xf: {  	[tilespmem:s10], [sflag:$0x1] =	stream.indirect.gather [hbm4b:s5+s6], $0x80, s9, s6, $0xb8;
	[tilespmem:$0x10200] =	vst v63  }
0x10: {  	s11 =	simm.s32 $0x180;
	s12 =	simm.s32 $0xC200;
	s13 =	simm.s32 $0x1  }
0x11: {  	[tilespmem:s12], [sflag:$0x1] =	stream.indirect.gather [hbm4b:s5+s6], $0x80, s11, s6, $0xb8;
	[tilespmem:$0x10200] =	vst v63  }
0x12: {  	_ =	swait.ge [sflag:s13], $0x4000  }
0x13: {  	[sflag:s13] =	ssyncset.done $0x0  }
0x14: {  	[sflag:s13] =	ssyncadd.s32 $0xFFFFC000  }
0x15: {  	_ =	swait.ge [sflag:s13], $0x4000  }
0x16: {  	[sflag:s13] =	ssyncset.done $0x0  }
0x17: {  	[sflag:s13] =	ssyncadd.s32 $0xFFFFC000  }
0x18: {  	_ =	swait.ge [sflag:s13], $0x4000  }
0x19: {  	[sflag:s13] =	ssyncset.done $0x0  }
0x1a: {  	[sflag:s13] =	ssyncadd.s32 $0xFFFFC000  }
0x1b: {  	s15 =	sshll.u32 s15, $0xD;
	_ =	swait.ge [sflag:s13], $0x4000  }
0x1c: {  	s19 =	sadd.s32 s15, s14;
	[sflag:s13] =	ssyncset.done $0x0  }
0x1d: {  	s14 =	sadd.s32 $0xF60800, s19;
	[sflag:s13] =	ssyncadd.s32 $0xFFFFC000  }
0x1e: {  	[hbm4b:s14+s2] =	stream.linear.scatter [tilespmem:s7], [sflag:$0x2], $0x10000, $0x38;
	[tilespmem:$0x10200] =	vst v63  }
0x1f: {  	_ =	swait.ge [sflag:s3], $0x10000  }
0x20: {  	[sflag:s3] =	ssyncset.done $0x0  }
0x21: {  	s15 =	sadd.s32 $0x800, s4;
	[sflag:s3] =	ssyncadd.s32 $0xFFFF0000  }
0x22: {  	[tilespmem:s2], [sflag:$0x2] =	stream.linear.gather [hbm4b:s15+s2], $0x200, $0x38;
	[tilespmem:$0x10200] =	vst v63  }
0x23: {  	_ =	swait.ge [sflag:s3], $0x200  }
0x24: {  	[sflag:s3] =	ssyncset.done $0x0  }
0x25: {  	[sflag:s3] =	ssyncadd.s32 $0xFFFFFE00  }
0x26: {  	[tilespmem:s7], [sflag:$0x1] =	stream.indirect.gather [hbm4b:s5+s6], $0x80, s2, s6, $0xb8;
	[tilespmem:$0x10200] =	vst v63  }
0x27: {  	_ = 	snop  }
0x28: {  	[tilespmem:s8], [sflag:$0x1] =	stream.indirect.gather [hbm4b:s5+s6], $0x80, s6, s6, $0xb8;
	[tilespmem:$0x10200] =	vst v63  }
0x29: {  	_ = 	snop  }
0x2a: {  	[tilespmem:s10], [sflag:$0x1] =	stream.indirect.gather [hbm4b:s5+s6], $0x80, s9, s6, $0xb8;
	[tilespmem:$0x10200] =	vst v63  }
0x2b: {  	_ = 	snop  }
0x2c: {  	[tilespmem:s12], [sflag:$0x1] =	stream.indirect.gather [hbm4b:s5+s6], $0x80, s11, s6, $0xb8;
	[tilespmem:$0x10200] =	vst v63  }
0x2d: {  	_ =	swait.ge [sflag:s13], $0x4000  }
0x2e: {  	[sflag:s13] =	ssyncset.done $0x0  }
0x2f: {  	[sflag:s13] =	ssyncadd.s32 $0xFFFFC000  }
0x30: {  	_ =	swait.ge [sflag:s13], $0x4000  }
0x31: {  	[sflag:s13] =	ssyncset.done $0x0  }
0x32: {  	[sflag:s13] =	ssyncadd.s32 $0xFFFFC000  }
0x33: {  	_ =	swait.ge [sflag:s13], $0x4000  }
0x34: {  	[sflag:s13] =	ssyncset.done $0x0  }
0x35: {  	[sflag:s13] =	ssyncadd.s32 $0xFFFFC000  }
0x36: {  	_ =	swait.ge [sflag:s13], $0x4000  }
0x37: {  	[sflag:s13] =	ssyncset.done $0x0  }
0x38: {  	s16 =	sadd.s32 $0xFA0800, s19;
	[sflag:s13] =	ssyncadd.s32 $0xFFFFC000  }
0x39: {  	[hbm4b:s16+s2] =	stream.linear.scatter [tilespmem:s7], [sflag:$0x2], $0x10000, $0x38;
	[tilespmem:$0x10200] =	vst v63  }
0x3a: {  	_ =	swait.ge [sflag:s3], $0x10000  }
0x3b: {  	[sflag:s3] =	ssyncset.done $0x0  }
0x3c: {  	s17 =	sadd.s32 $0x1000, s4;
	[sflag:s3] =	ssyncadd.s32 $0xFFFF0000  }
0x3d: {  	[tilespmem:s2], [sflag:$0x2] =	stream.linear.gather [hbm4b:s17+s2], $0x200, $0x38;
	[tilespmem:$0x10200] =	vst v63  }
0x3e: {  	_ =	swait.ge [sflag:s3], $0x200  }
0x3f: {  	[sflag:s3] =	ssyncset.done $0x0  }
0x40: {  	[sflag:s3] =	ssyncadd.s32 $0xFFFFFE00  }
0x41: {  	[tilespmem:s7], [sflag:$0x1] =	stream.indirect.gather [hbm4b:s5+s6], $0x80, s2, s6, $0xb8;
	[tilespmem:$0x10200] =	vst v63  }
0x42: {  	_ = 	snop  }
0x43: {  	[tilespmem:s8], [sflag:$0x1] =	stream.indirect.gather [hbm4b:s5+s6], $0x80, s6, s6, $0xb8;
	[tilespmem:$0x10200] =	vst v63  }
0x44: {  	_ = 	snop  }
0x45: {  	[tilespmem:s10], [sflag:$0x1] =	stream.indirect.gather [hbm4b:s5+s6], $0x80, s9, s6, $0xb8;
	[tilespmem:$0x10200] =	vst v63  }
0x46: {  	_ = 	snop  }
0x47: {  	[tilespmem:s12], [sflag:$0x1] =	stream.indirect.gather [hbm4b:s5+s6], $0x80, s11, s6, $0xb8;
	[tilespmem:$0x10200] =	vst v63  }
0x48: {  	_ =	swait.ge [sflag:s13], $0x4000  }
0x49: {  	[sflag:s13] =	ssyncset.done $0x0  }
0x4a: {  	[sflag:s13] =	ssyncadd.s32 $0xFFFFC000  }
0x4b: {  	_ =	swait.ge [sflag:s13], $0x4000  }
0x4c: {  	[sflag:s13] =	ssyncset.done $0x0  }
0x4d: {  	s18 =	ssub.s32 $0x2, s18;
	[sflag:s13] =	ssyncadd.s32 $0xFFFFC000  }
0x4e: {  	s20 =	sshrl.u32 s18, $0x1;
	_ =	swait.ge [sflag:s13], $0x4000  }
0x4f: {  	s20 =	ssub.s32 s18, s20;
	[sflag:s13] =	ssyncset.done $0x0  }
0x50: {  	s31 =	smax.u32 s20, $0x1;
	[sflag:s13] =	ssyncadd.s32 $0xFFFFC000  }
0x51: {  	p0 =	sne.s32 s31, $0x1;
	_ =	swait.ge [sflag:s13], $0x4000  }
.Ltmp0:
0x52: {  	[sflag:s13] =	ssyncset.done $0x0;
	(pc) =	sbr.rel @!p0 .LBB2_2-.Ltmp0, $4  }
0x53: {  	s18 =	sadd.s32 $0xFE0800, s19;
	[sflag:s13] =	ssyncadd.s32 $0xFFFFC000  }
0x54: {  	[hbm4b:s18+s2] =	stream.linear.scatter [tilespmem:s7], [sflag:$0x2], $0x10000, $0x38;
	[tilespmem:$0x10200] =	vst v63  }
0x55: {  	_ =	swait.ge [sflag:s3], $0x10000  }
0x56: {  	s19 =	sadd.s32 $0xFFFFFFFF, s31;
	[sflag:s3] =	ssyncset.done $0x0  }
.LBB2_1:
0x57: {  	p0 =	sne.s32 s19, $0x1;
	s19 =	sadd.s32 $0xFFFFFFFF, s19;
	[sflag:s3] =	ssyncadd.s32 $0xFFFF0000  }
0x58: {  	[tilespmem:s2], [sflag:$0x2] =	stream.linear.gather [hbm4b:s4+s2], $0x200, $0x38;
	[tilespmem:$0x10200] =	vst v63  }
0x59: {  	_ =	swait.ge [sflag:s3], $0x200  }
0x5a: {  	[sflag:s3] =	ssyncset.done $0x0  }
0x5b: {  	[sflag:s3] =	ssyncadd.s32 $0xFFFFFE00  }
0x5c: {  	[tilespmem:s7], [sflag:$0x1] =	stream.indirect.gather [hbm4b:s5+s6], $0x80, s2, s6, $0xb8;
	[tilespmem:$0x10200] =	vst v63  }
0x5d: {  	_ = 	snop  }
0x5e: {  	[tilespmem:s8], [sflag:$0x1] =	stream.indirect.gather [hbm4b:s5+s6], $0x80, s6, s6, $0xb8;
	[tilespmem:$0x10200] =	vst v63  }
0x5f: {  	_ = 	snop  }
0x60: {  	[tilespmem:s10], [sflag:$0x1] =	stream.indirect.gather [hbm4b:s5+s6], $0x80, s9, s6, $0xb8;
	[tilespmem:$0x10200] =	vst v63  }
0x61: {  	_ = 	snop  }
0x62: {  	[tilespmem:s12], [sflag:$0x1] =	stream.indirect.gather [hbm4b:s5+s6], $0x80, s11, s6, $0xb8;
	[tilespmem:$0x10200] =	vst v63  }
0x63: {  	_ =	swait.ge [sflag:s13], $0x4000  }
0x64: {  	[sflag:s13] =	ssyncset.done $0x0  }
0x65: {  	[sflag:s13] =	ssyncadd.s32 $0xFFFFC000  }
0x66: {  	_ =	swait.ge [sflag:s13], $0x4000  }
0x67: {  	[sflag:s13] =	ssyncset.done $0x0  }
0x68: {  	[sflag:s13] =	ssyncadd.s32 $0xFFFFC000  }
0x69: {  	_ =	swait.ge [sflag:s13], $0x4000  }
0x6a: {  	[sflag:s13] =	ssyncset.done $0x0  }
0x6b: {  	[sflag:s13] =	ssyncadd.s32 $0xFFFFC000  }
0x6c: {  	_ =	swait.ge [sflag:s13], $0x4000  }
0x6d: {  	[sflag:s13] =	ssyncset.done $0x0  }
0x6e: {  	[sflag:s13] =	ssyncadd.s32 $0xFFFFC000  }
0x6f: {  	[hbm4b:s14+s2] =	stream.linear.scatter [tilespmem:s7], [sflag:$0x2], $0x10000, $0x38;
	[tilespmem:$0x10200] =	vst v63  }
0x70: {  	_ =	swait.ge [sflag:s3], $0x10000  }
0x71: {  	[sflag:s3] =	ssyncset.done $0x0  }
0x72: {  	[sflag:s3] =	ssyncadd.s32 $0xFFFF0000  }
0x73: {  	[tilespmem:s2], [sflag:$0x2] =	stream.linear.gather [hbm4b:s15+s2], $0x200, $0x38;
	[tilespmem:$0x10200] =	vst v63  }
0x74: {  	_ =	swait.ge [sflag:s3], $0x200  }
0x75: {  	[sflag:s3] =	ssyncset.done $0x0  }
0x76: {  	[sflag:s3] =	ssyncadd.s32 $0xFFFFFE00  }
0x77: {  	[tilespmem:s7], [sflag:$0x1] =	stream.indirect.gather [hbm4b:s5+s6], $0x80, s2, s6, $0xb8;
	[tilespmem:$0x10200] =	vst v63  }
0x78: {  	_ = 	snop  }
0x79: {  	[tilespmem:s8], [sflag:$0x1] =	stream.indirect.gather [hbm4b:s5+s6], $0x80, s6, s6, $0xb8;
	[tilespmem:$0x10200] =	vst v63  }
0x7a: {  	_ = 	snop  }
0x7b: {  	[tilespmem:s10], [sflag:$0x1] =	stream.indirect.gather [hbm4b:s5+s6], $0x80, s9, s6, $0xb8;
	[tilespmem:$0x10200] =	vst v63  }
0x7c: {  	_ = 	snop  }
0x7d: {  	[tilespmem:s12], [sflag:$0x1] =	stream.indirect.gather [hbm4b:s5+s6], $0x80, s11, s6, $0xb8;
	[tilespmem:$0x10200] =	vst v63  }
0x7e: {  	_ =	swait.ge [sflag:s13], $0x4000  }
0x7f: {  	[sflag:s13] =	ssyncset.done $0x0  }
0x80: {  	[sflag:s13] =	ssyncadd.s32 $0xFFFFC000  }
0x81: {  	_ =	swait.ge [sflag:s13], $0x4000  }
0x82: {  	[sflag:s13] =	ssyncset.done $0x0  }
0x83: {  	[sflag:s13] =	ssyncadd.s32 $0xFFFFC000  }
0x84: {  	_ =	swait.ge [sflag:s13], $0x4000  }
0x85: {  	[sflag:s13] =	ssyncset.done $0x0  }
0x86: {  	[sflag:s13] =	ssyncadd.s32 $0xFFFFC000  }
0x87: {  	_ =	swait.ge [sflag:s13], $0x4000  }
0x88: {  	[sflag:s13] =	ssyncset.done $0x0  }
0x89: {  	[sflag:s13] =	ssyncadd.s32 $0xFFFFC000  }
0x8a: {  	[hbm4b:s16+s2] =	stream.linear.scatter [tilespmem:s7], [sflag:$0x2], $0x10000, $0x38;
	[tilespmem:$0x10200] =	vst v63  }
0x8b: {  	_ =	swait.ge [sflag:s3], $0x10000  }
0x8c: {  	[sflag:s3] =	ssyncset.done $0x0  }
0x8d: {  	[sflag:s3] =	ssyncadd.s32 $0xFFFF0000  }
0x8e: {  	[tilespmem:s2], [sflag:$0x2] =	stream.linear.gather [hbm4b:s17+s2], $0x200, $0x38;
	[tilespmem:$0x10200] =	vst v63  }
0x8f: {  	_ =	swait.ge [sflag:s3], $0x200  }
0x90: {  	[sflag:s3] =	ssyncset.done $0x0  }
0x91: {  	[sflag:s3] =	ssyncadd.s32 $0xFFFFFE00  }
0x92: {  	[tilespmem:s7], [sflag:$0x1] =	stream.indirect.gather [hbm4b:s5+s6], $0x80, s2, s6, $0xb8;
	[tilespmem:$0x10200] =	vst v63  }
0x93: {  	_ = 	snop  }
0x94: {  	[tilespmem:s8], [sflag:$0x1] =	stream.indirect.gather [hbm4b:s5+s6], $0x80, s6, s6, $0xb8;
	[tilespmem:$0x10200] =	vst v63  }
0x95: {  	_ = 	snop  }
0x96: {  	[tilespmem:s10], [sflag:$0x1] =	stream.indirect.gather [hbm4b:s5+s6], $0x80, s9, s6, $0xb8;
	[tilespmem:$0x10200] =	vst v63  }
0x97: {  	_ = 	snop  }
0x98: {  	[tilespmem:s12], [sflag:$0x1] =	stream.indirect.gather [hbm4b:s5+s6], $0x80, s11, s6, $0xb8;
	[tilespmem:$0x10200] =	vst v63  }
0x99: {  	_ =	swait.ge [sflag:s13], $0x4000  }
0x9a: {  	[sflag:s13] =	ssyncset.done $0x0  }
0x9b: {  	[sflag:s13] =	ssyncadd.s32 $0xFFFFC000  }
0x9c: {  	_ =	swait.ge [sflag:s13], $0x4000  }
0x9d: {  	[sflag:s13] =	ssyncset.done $0x0  }
0x9e: {  	[sflag:s13] =	ssyncadd.s32 $0xFFFFC000  }
0x9f: {  	_ =	swait.ge [sflag:s13], $0x4000  }
0xa0: {  	[sflag:s13] =	ssyncset.done $0x0  }
0xa1: {  	[sflag:s13] =	ssyncadd.s32 $0xFFFFC000  }
0xa2: {  	_ =	swait.ge [sflag:s13], $0x4000  }
.Ltmp1:
0xa3: {  	[sflag:s13] =	ssyncset.done $0x0;
	(pc) =	sbr.rel @p0 .LBB2_1-.Ltmp1, $4  }
0xa4: {  	[sflag:s13] =	ssyncadd.s32 $0xFFFFC000  }
0xa5: {  	[hbm4b:s18+s2] =	stream.linear.scatter [tilespmem:s7], [sflag:$0x2], $0x10000, $0x38;
	[tilespmem:$0x10200] =	vst v63  }
0xa6: {  	_ =	swait.ge [sflag:s3], $0x10000  }
0xa7: {  	[sflag:s3] =	ssyncset.done $0x0  }
.LBB2_2:
0xa8: {  	[sflag:s3] =	ssyncadd.s32 $0xFFFF0000  }
0xa9: {  	_ =	sfence.sel $0x180000  }
0xaa: {  	[bflag:$0x0] =	sbarrier.arrive $0xFFFF  }
0xab: {  	p0 =	sne.s32 s0, $0x0;
	_ =	strace $0x90000047  }
0xac: {  	s0 =	sadd.s32 @!p0 $0x100000, s1;
	[bflag:$0x2] =	sbarrier.arrive $0xFFFF  }
0xad: {  	[sflag:s0] =	ssyncadd.tile.s32 @!p0 $0x1;
	_ =	shalt  }
.Lfunc_end2:
_tile_overlayer_lowered:
.L_overlay_start_2:
0xae: {  	(tag) =	ssettag $0x2  }
0xaf: {  	s0 =	rddreg [dreg:$0x0];
	s2 =	stileid.u32  }
0xb0: {  	s1 =	rddreg [dreg:$0x1];
	p0 =	sne.s32 s2, $0x0  }
0xb1: {  	s3 =	rddreg [dreg:$0x2];
	[bflag:$0x3] =	sbarrier.arrive $0xFFFF;
	s2 =	simm.s32 @!p0 $0x1C02  }
0xb2: {  	[timem:s3], [sflag:s2] =	dma.local @!p0 [hbm:s0], s1  }
0xb3: {  	s0 =	simm.s32 @!p0 $0x2  }
0xb4: {  	_ =	swait.ge @!p0 [sflag:s0], s1  }
0xb5: {  	s1 =	ssub.s32 @!p0 $0x0, s1;
	[sflag:s0] =	ssyncset.done @!p0 $0x0  }
0xb6: {  	[sflag:s0] =	ssyncadd.s32 @!p0 s1  }
0xb7: {  	[bflag:$0x3] =	sbarrier.arrive $0xFFFF  }
0xb8: {  	_ =	shalt  }

</sc_bundles>
